<compile_context>
chip_gen: v7x
topology: tpu7x:2x2x1
jax: 0.10.2.dev20260603
libtpu: 0.0.44.dev20260713+nightly
codegen_flags: <defaults>
</compile_context>

<pallas_src>
import functools

import jax
import jax.numpy as jnp
from jax import lax
from jax.experimental import pallas as pl
from jax.experimental.pallas import tpu as pltpu
from jax.experimental.pallas import tpu_sc as plsc

_B = 1024
_S = 200
_H = 128
_NW = 32
_BB = 8
_NPAD = 256


def _sc_gather(x, table):
    nb = _B // _NW
    mesh = plsc.VectorSubcoreMesh(core_axis_name="c", subcore_axis_name="s")

    @functools.partial(
        pl.kernel,
        mesh=mesh,
        out_type=jax.ShapeDtypeStruct((_B, _S, _H), jnp.float32),
        scratch_types=[
            pltpu.VMEM((_S,), jnp.int32),
            pltpu.VMEM((_S, _H), jnp.float32),
            pltpu.SemaphoreType.DMA,
        ],
        compiler_params=pltpu.CompilerParams(use_tc_tiling_on_sc=True),
    )
    def gather_kernel(x_hbm, tab_hbm, out_hbm, idx_v, rows_v, sem):
        wid = lax.axis_index("s") * 2 + lax.axis_index("c")

        def body(i, carry):
            b = wid * nb + i
            pltpu.sync_copy(x_hbm.at[b], idx_v)
            pltpu.async_copy(tab_hbm.at[idx_v], rows_v, sem).wait()
            pltpu.sync_copy(rows_v, out_hbm.at[b])
            return carry

        lax.fori_loop(0, nb, body, 0)

    return gather_kernel(x, table)


def _sel_body(w1c, w1r, w2c, w2r, w3c, w3r, v_ref):
    n = _NPAD
    ii = lax.broadcasted_iota(jnp.int32, (n, n), 0)
    jj = lax.broadcasted_iota(jnp.int32, (n, n), 1)
    icol = lax.broadcasted_iota(jnp.int32, (n, 1), 0)
    lower = (jj < ii).astype(jnp.float32)

    def matcol(m, col):
        return lax.dot_general(m, col, (((1,), (0,)), ((), ())),
                               preferred_element_type=jnp.float32)

    def keep_col(wc_ref, wr_ref, length, k):
        wi = wc_ref[...]
        wj = wr_ref[...]
        g = (wj > wi) | ((wj == wi) & (jj < ii))
        rank = jnp.sum(g.astype(jnp.float32), axis=1, keepdims=True)
        return ((rank < float(k)) & (icol < length)).astype(jnp.float32)

    k1 = keep_col(w1c, w1r, 199, 150)
    j1 = matcol(lower, k1).astype(jnp.int32)
    s2 = keep_col(w2c, w2r, 149, 100)
    g2 = matcol((j1 == jj).astype(jnp.float32), s2)
    k2 = k1 * (j1 <= 148).astype(jnp.float32) * g2
    j2 = matcol(lower, k2).astype(jnp.int32)
    s3 = keep_col(w3c, w3r, 99, 50)
    g3 = matcol((j2 == jj).astype(jnp.float32), s3)
    k3 = k2 * (j2 <= 98).astype(jnp.float32) * g3
    sh = (((jj == ii - 1) & (ii <= 198)) |
          ((ii == 198) & (jj == 198))).astype(jnp.float32)
    v_ref[...] = matcol(sh, k3) * (1.0 / 50.0)


def _sel_weights(w1, w2, w3, interpret=False):
    def pad2(w):
        wp = jnp.pad(w, (0, _NPAD - w.shape[0]), constant_values=-1e30)
        return wp.reshape(_NPAD, 1), wp.reshape(1, _NPAD)

    w1c, w1r = pad2(w1)
    w2c, w2r = pad2(w2)
    w3c, w3r = pad2(w3)
    vcol = pl.pallas_call(
        _sel_body,
        out_shape=jax.ShapeDtypeStruct((_NPAD, 1), jnp.float32),
        interpret=interpret,
    )(w1c, w1r, w2c, w2r, w3c, w3r)
    return vcol[:_S].reshape(1, _S, 1)


def _main_body(g_ref, x_ref, pos_ref, v_ref, e1_ref, e2_ref, e3_ref,
               w1m_ref, w1s_ref, b1m_ref, b1s_ref,
               w2m_ref, w2s_ref, b2m_ref, b2s_ref,
               w3m_ref, w3s_ref, b3m_ref, b3s_ref,
               lng_ref, lnb_ref, rmu_ref, rstd_ref,
               out_ref, kl_ref, mask_ref):
    bb, s = _BB, _S
    data = g_ref[...] + pos_ref[...]
    avg = jnp.sum(data * v_ref[...], axis=1, keepdims=True)
    srow = lax.broadcasted_iota(jnp.int32, (bb, s, 1), 1)
    ifx = jnp.where(srow == s - 1, jnp.broadcast_to(avg, data.shape), data)

    h = ifx.reshape(bb * s, _H)

    def mm(a, w_ref, b_ref):
        return lax.dot_general(a, w_ref[...], (((1,), (0,)), ((), ())),
                               preferred_element_type=jnp.float32) + b_ref[...]

    def softplus(t):
        return jnp.maximum(t, 0.0) + jnp.log1p(jnp.exp(-jnp.abs(t)))

    sd = softplus(mm(h, w1s_ref, b1s_ref))
    h = mm(h, w1m_ref, b1m_ref) + sd * e1_ref[...].reshape(bb * s, 128)
    sd = softplus(mm(h, w2s_ref, b2s_ref))
    h = mm(h, w2m_ref, b2m_ref) + sd * e2_ref[...].reshape(bb * s, 64)
    mu = mm(h, w3m_ref, b3m_ref)
    sd = softplus(mm(h, w3s_ref, b3s_ref))
    sout = mu + sd * e3_ref[...].reshape(bb * s, 50)

    rmu = rmu_ref[...]
    rstd = rstd_ref[...]
    kl = (jnp.log(rmu / sd) - 0.5 +
          ((mu - rstd) ** 2 + sd ** 2) / (rmu ** 2) / 2.0)

    mean = jnp.mean(sout, axis=-1, keepdims=True)
    var = jnp.mean((sout - mean) ** 2, axis=-1, keepdims=True)
    out = lng_ref[...] * (sout - mean) / jnp.sqrt(var + 1e-6) + lnb_ref[...]

    out_ref[...] = out.reshape(bb, s, 50)
    kl_ref[...] = kl.reshape(bb, s, 50)
    m = x_ref[...] > 0
    mask_ref[...] = jnp.broadcast_to(m[:, None, None, :], (bb, 1, s, s))


def _main_call(gathered, x, pos3, v3, eps1, eps2, eps3, weights,
               interpret=False):
    (w1m, w1s, b1m, b1s, w2m, w2s, b2m, b2s,
     w3m, w3s, b3m, b3s, lng, lnb, rmu, rstd) = weights
    nsteps = _B // _BB
    full = lambda shape: pl.BlockSpec(shape, lambda i: (0,) * len(shape))
    bat3 = lambda s1, s2: pl.BlockSpec((_BB, s1, s2), lambda i: (i, 0, 0))
    grid_spec = pl.GridSpec(
        grid=(nsteps,),
        in_specs=[
            bat3(_S, _H),
            pl.BlockSpec((_BB, _S), lambda i: (i, 0)),
            full((1, _S, _H)),
            full((1, _S, 1)),
            bat3(_S, 128), bat3(_S, 64), bat3(_S, 50),
            full((128, 128)), full((128, 128)), full((1, 128)), full((1, 128)),
            full((128, 64)), full((128, 64)), full((1, 64)), full((1, 64)),
            full((64, 50)), full((64, 50)), full((1, 50)), full((1, 50)),
            full((1, 50)), full((1, 50)), full((1, 50)), full((1, 50)),
        ],
        out_specs=[
            bat3(_S, 50),
            bat3(_S, 50),
            pl.BlockSpec((_BB, 1, _S, _S), lambda i: (i, 0, 0, 0)),
        ],
    )
    return pl.pallas_call(
        _main_body,
        grid_spec=grid_spec,
        out_shape=[
            jax.ShapeDtypeStruct((_B, _S, 50), jnp.float32),
            jax.ShapeDtypeStruct((_B, _S, 50), jnp.float32),
            jax.ShapeDtypeStruct((_B, 1, _S, _S), jnp.bool_),
        ],
        compiler_params=pltpu.CompilerParams(
            dimension_semantics=("parallel",),
        ),
        interpret=interpret,
    )(gathered, x, pos3, v3, eps1, eps2, eps3,
      w1m, w1s, b1m, b1s, w2m, w2s, b2m, b2s,
      w3m, w3s, b3m, b3s, lng, lnb, rmu, rstd)


def _split_weights(enc1_W, enc1_b, enc2_W, enc2_b, enc3_W, enc3_b,
                   ln_g, ln_b, r_mu, r_std):
    return (
        enc1_W[:, :128], enc1_W[:, 128:],
        enc1_b[:128].reshape(1, 128), enc1_b[128:].reshape(1, 128),
        enc2_W[:, :64], enc2_W[:, 64:],
        enc2_b[:64].reshape(1, 64), enc2_b[64:].reshape(1, 64),
        enc3_W[:, :50], enc3_W[:, 50:],
        enc3_b[:50].reshape(1, 50), enc3_b[50:].reshape(1, 50),
        ln_g.reshape(1, 50), ln_b.reshape(1, 50),
        r_mu.reshape(1, 50), r_std.reshape(1, 50),
    )


def _noise():
    eps1 = jnp.zeros((_B, _S, 128), jnp.float32)
    eps2 = jnp.zeros((_B, _S, 64), jnp.float32)
    eps3 = jnp.zeros((_B, _S, 50), jnp.float32)
    return eps1, eps2, eps3


def kernel(x, token_weight, pos_weight, w1, w2, w3, enc1_W, enc1_b,
           enc2_W, enc2_b, enc3_W, enc3_b, ln_g, ln_b, r_mu, r_std):
    eps1, eps2, eps3 = _noise()
    v3 = _sel_weights(w1, w2, w3)
    gathered = _sc_gather(x, token_weight)
    weights = _split_weights(enc1_W, enc1_b, enc2_W, enc2_b,
                             enc3_W, enc3_b, ln_g, ln_b, r_mu, r_std)
    out, kl, mask = _main_call(gathered, x, pos_weight.reshape(1, _S, _H),
                               v3, eps1, eps2, eps3, weights)
    return out, kl, mask

# --- scband reference (transcript-rebuilt; emitter-appended) ---
"""Pipeline reference for scband-bert-20770461843818 (READ-ONLY COPY).

The authoritative reference and input builder live on the scoring server;
editing this copy changes nothing except your own understanding.
"""

import jax, jax.numpy as jnp
import numpy as np

B = 1024
S = 200
V = 100000
H = 128
H1 = 128
H2 = 64
H3 = 50


def setup_inputs(seed: int = 0):
    key = jax.random.key(seed)
    ks = jax.random.split(key, 12)
    inp = {}
    inp["x"] = jax.random.randint(ks[0], (B, S), 0, V, dtype=jnp.int32)
    inp["token_weight"] = jax.random.normal(ks[1], (V, H), jnp.float32) * 0.02
    inp["pos_weight"] = jax.random.normal(ks[2], (S, H), jnp.float32) * 0.02
    inp["w1"] = jax.random.normal(ks[3], (199,), jnp.float32)
    inp["w2"] = jax.random.normal(ks[4], (149,), jnp.float32)
    inp["w3"] = jax.random.normal(ks[5], (99,), jnp.float32)
    inp["enc1_W"] = jax.random.normal(ks[6], (H, 2 * H1), jnp.float32) * 0.02
    inp["enc1_b"] = jnp.zeros((2 * H1,), jnp.float32)
    inp["enc2_W"] = jax.random.normal(ks[7], (H1, 2 * H2), jnp.float32) * 0.02
    inp["enc2_b"] = jnp.zeros((2 * H2,), jnp.float32)
    inp["enc3_W"] = jax.random.normal(ks[8], (H2, 2 * H3), jnp.float32) * 0.02
    inp["enc3_b"] = jnp.zeros((2 * H3,), jnp.float32)
    inp["ln_g"] = jnp.ones((H3,), jnp.float32)
    inp["ln_b"] = jnp.zeros((H3,), jnp.float32)
    inp["r_mu"] = jax.random.uniform(ks[9], (H3,), jnp.float32, minval=0.5, maxval=1.5)
    inp["r_std"] = jax.random.uniform(ks[10], (H3,), jnp.float32, minval=0.5, maxval=1.5)
    return inp


def _ib(h, W, b, hd, k):
    enc = h @ W + b
    mu = enc[..., :hd]
    std = jax.nn.softplus(enc[..., hd:])
    eps = jax.random.normal(k, mu.shape, mu.dtype)
    return mu, std, mu + std * eps


def reference(x, token_weight, pos_weight, w1, w2, w3, enc1_W, enc1_b, enc2_W, enc2_b, enc3_W, enc3_b, ln_g, ln_b, r_mu, r_std):
    # get_mask (2D branch)
    m = x > 0
    mask = jnp.broadcast_to(m[:, None, :], (x.shape[0], x.shape[1], x.shape[1]))[:, None, :, :]
    # token + positional embedding
    emb = jnp.take(token_weight, x, axis=0) + pos_weight[None, :, :]
    data = emb[:, :199, :]
    indices_list = jnp.arange(1, 200)
    # three successive top-k binary masks (argsort-desc + first-k ones == sorted top_k indices)
    sel1 = jnp.sort(jax.lax.top_k(jax.nn.sigmoid(w1), 150)[1])
    indices_list = indices_list[sel1]
    sel2 = jnp.sort(jax.lax.top_k(jax.nn.sigmoid(w2), 100)[1])
    indices_list = indices_list[sel2]
    sel3 = jnp.sort(jax.lax.top_k(jax.nn.sigmoid(w3), 50)[1])
    indices_list = indices_list[sel3]
    selected = jnp.take(data, indices_list, axis=1)
    avg = selected.mean(axis=1, keepdims=True)
    ifx = jnp.concatenate([data, avg], axis=1)
    # IB stack with reparameterization (fixed noise key; dropout = identity / eval mode)
    k1, k2, k3 = jax.random.split(jax.random.key(42), 3)
    mu, std, s = _ib(ifx, enc1_W, enc1_b, H1, k1)
    mu, std, s = _ib(s, enc2_W, enc2_b, H2, k2)
    mu, std, s = _ib(s, enc3_W, enc3_b, H3, k3)
    # kl_divergence(mu, std, r_std, r_mu) exactly as in torch (note swapped roles)
    kl = jnp.log(r_mu / std) - 0.5 + ((mu - r_std) ** 2 + std ** 2) / (r_mu ** 2) / 2.0
    # LayerNorm(50)
    mean = s.mean(axis=-1, keepdims=True)
    var = ((s - mean) ** 2).mean(axis=-1, keepdims=True)
    out = ln_g * (s - mean) / jnp.sqrt(var + 1e-6) + ln_b
    return out, kl, mask

if __name__ == "__main__":
    import jax
    _d = setup_inputs()
    print(jax.jit(kernel)(*tuple(_d.values())))

</pallas_src>

<mosaic_0001>
#map = affine_map<(d0, d1) -> (0, 0)>
#map1 = affine_map<(d0, d1) -> (0, 0, 0)>
module attributes {stable_mosaic.version = 14 : i64} {
  func.func @gather_kernel(%arg0: i32, %arg1: i32, %arg2: memref<1024x200xi32, #tpu.memory_space<hbm>>, %arg3: memref<100000x128xf32, #tpu.memory_space<hbm>>, %arg4: memref<1024x200x128xf32, #tpu.memory_space<hbm>>, %arg5: memref<200xi32, #tpu.memory_space<vmem>>, %arg6: memref<200x128xf32, #tpu.memory_space<vmem>>, %arg7: memref<!tpu.dma_semaphore, #tpu.memory_space<semaphore_mem>>) attributes {dimension_semantics = [#tpu.dimension_semantics<core_parallel>, #tpu.dimension_semantics<subcore_parallel>], iteration_bounds = array<i64: 2, 16>, scalar_prefetch = 0 : i64, scratch_operands = 3 : i64, tpu.core_type = #tpu.core_type<sc_vector_subcore>, window_params = [{transform_indices = #map}, {transform_indices = #map}, {transform_indices = #map1}]} {
    %mul3A = arith.constant 2 : i32
    %mul3A_0 = arith.muli %arg1, %mul3A : i32
    %add3A = arith.addi %mul3A_0, %arg0 : i32
    %scan3A = arith.constant 0 : i32
    %scan3A_1 = arith.constant 0 : i32
    %scan3A_2 = arith.constant 32 : i32
    %scan3A_3 = arith.addi %scan3A_1, %scan3A_2 : i32
    %scan3A_4 = arith.constant 1 : i32
    scf.for %scan3A_6 = %scan3A_1 to %scan3A_3 step %scan3A_4  : i32 {
      %mul3A_7 = arith.constant 32 : i32
      %mul3A_8 = arith.muli %add3A, %mul3A_7 : i32
      %add3A_9 = arith.addi %mul3A_8, %scan3A_6 : i32
      "tpu.region"() ({
        %run_scoped3A = tpu.sem_alloc : memref<!tpu.dma_semaphore, #tpu.memory_space<semaphore_mem>>
        %dma_start3A_14 = arith.constant 0 : i32
        %dma_start3A_15 = tpu.memref_slice %arg2[%add3A_9, %dma_start3A_14] : memref<1024x200xi32, #tpu.memory_space<hbm>> -> memref<1x200xi32, #tpu.memory_space<hbm>>
        %dma_start3A_16 = tpu.memref_squeeze %dma_start3A_15 : memref<1x200xi32, #tpu.memory_space<hbm>> -> memref<200xi32, #tpu.memory_space<hbm>>
        %dma_start3A_17 = arith.constant 0 : i32
        %dma_start3A_18 = tpu.memref_slice %arg2[%add3A_9, %dma_start3A_17] : memref<1024x200xi32, #tpu.memory_space<hbm>> -> memref<1x200xi32, #tpu.memory_space<hbm>>
        %dma_start3A_19 = tpu.memref_squeeze %dma_start3A_18 : memref<1x200xi32, #tpu.memory_space<hbm>> -> memref<200xi32, #tpu.memory_space<hbm>>
        tpu.enqueue_dma source(%dma_start3A_19 : memref<200xi32, #tpu.memory_space<hbm>>) target(%arg5 : memref<200xi32, #tpu.memory_space<vmem>>) target_semaphore(%run_scoped3A : memref<!tpu.dma_semaphore, #tpu.memory_space<semaphore_mem>>)
        %dma_wait3A_20 = arith.constant 0 : i32
        %dma_wait3A_21 = tpu.memref_slice %arg2[%add3A_9, %dma_wait3A_20] : memref<1024x200xi32, #tpu.memory_space<hbm>> -> memref<1x200xi32, #tpu.memory_space<hbm>>
        %dma_wait3A_22 = tpu.memref_squeeze %dma_wait3A_21 : memref<1x200xi32, #tpu.memory_space<hbm>> -> memref<200xi32, #tpu.memory_space<hbm>>
        %dma_wait3A_23 = arith.constant 0 : i32
        %dma_wait3A_24 = tpu.memref_slice %arg2[%add3A_9, %dma_wait3A_23] : memref<1024x200xi32, #tpu.memory_space<hbm>> -> memref<1x200xi32, #tpu.memory_space<hbm>>
        %dma_wait3A_25 = tpu.memref_squeeze %dma_wait3A_24 : memref<1x200xi32, #tpu.memory_space<hbm>> -> memref<200xi32, #tpu.memory_space<hbm>>
        tpu.wait_dma2 semaphore(%run_scoped3A : memref<!tpu.dma_semaphore, #tpu.memory_space<semaphore_mem>>) src(%dma_wait3A_25 : memref<200xi32, #tpu.memory_space<hbm>>) dst(%arg5 : memref<200xi32, #tpu.memory_space<vmem>>)
        tpu.yield
      }) : () -> ()
      %dma_start3A = arith.constant 0 : i32
      %dma_start3A_10 = arith.constant 0 : i32
      %dma_start3A_11 = tpu.memref_slice %arg3[%dma_start3A, %dma_start3A_10] : memref<100000x128xf32, #tpu.memory_space<hbm>> -> memref<100000x128xf32, #tpu.memory_space<hbm>>
      tpu.enqueue_indirect_dma source(%dma_start3A_11 : memref<100000x128xf32, #tpu.memory_space<hbm>>) target(%arg6 : memref<200x128xf32, #tpu.memory_space<vmem>>) offsets(%arg5 : memref<200xi32, #tpu.memory_space<vmem>>) semaphore(%arg7 : memref<!tpu.dma_semaphore, #tpu.memory_space<semaphore_mem>>)
      %dma_wait3A = arith.constant 0 : i32
      %dma_wait3A_12 = arith.constant 0 : i32
      %dma_wait3A_13 = tpu.memref_slice %arg3[%dma_wait3A, %dma_wait3A_12] : memref<100000x128xf32, #tpu.memory_space<hbm>> -> memref<100000x128xf32, #tpu.memory_space<hbm>>
      tpu.wait_indirect_dma semaphore(%arg7 : memref<!tpu.dma_semaphore, #tpu.memory_space<semaphore_mem>>) src(%dma_wait3A_13 : memref<100000x128xf32, #tpu.memory_space<hbm>>) dst(%arg6 : memref<200x128xf32, #tpu.memory_space<vmem>>)
      "tpu.region"() ({
        %run_scoped3A = tpu.sem_alloc : memref<!tpu.dma_semaphore, #tpu.memory_space<semaphore_mem>>
        %dma_start3A_14 = arith.constant 0 : i32
        %dma_start3A_15 = arith.constant 0 : i32
        %dma_start3A_16 = tpu.memref_slice %arg4[%add3A_9, %dma_start3A_14, %dma_start3A_15] : memref<1024x200x128xf32, #tpu.memory_space<hbm>> -> memref<1x200x128xf32, #tpu.memory_space<hbm>>
        %dma_start3A_17 = tpu.memref_squeeze %dma_start3A_16 : memref<1x200x128xf32, #tpu.memory_space<hbm>> -> memref<200x128xf32, #tpu.memory_space<hbm>>
        %dma_start3A_18 = arith.constant 0 : i32
        %dma_start3A_19 = arith.constant 0 : i32
        %dma_start3A_20 = tpu.memref_slice %arg4[%add3A_9, %dma_start3A_18, %dma_start3A_19] : memref<1024x200x128xf32, #tpu.memory_space<hbm>> -> memref<1x200x128xf32, #tpu.memory_space<hbm>>
        %dma_start3A_21 = tpu.memref_squeeze %dma_start3A_20 : memref<1x200x128xf32, #tpu.memory_space<hbm>> -> memref<200x128xf32, #tpu.memory_space<hbm>>
        tpu.enqueue_dma source(%arg6 : memref<200x128xf32, #tpu.memory_space<vmem>>) target(%dma_start3A_21 : memref<200x128xf32, #tpu.memory_space<hbm>>) target_semaphore(%run_scoped3A : memref<!tpu.dma_semaphore, #tpu.memory_space<semaphore_mem>>)
        %dma_wait3A_22 = arith.constant 0 : i32
        %dma_wait3A_23 = arith.constant 0 : i32
        %dma_wait3A_24 = tpu.memref_slice %arg4[%add3A_9, %dma_wait3A_22, %dma_wait3A_23] : memref<1024x200x128xf32, #tpu.memory_space<hbm>> -> memref<1x200x128xf32, #tpu.memory_space<hbm>>
        %dma_wait3A_25 = tpu.memref_squeeze %dma_wait3A_24 : memref<1x200x128xf32, #tpu.memory_space<hbm>> -> memref<200x128xf32, #tpu.memory_space<hbm>>
        %dma_wait3A_26 = arith.constant 0 : i32
        %dma_wait3A_27 = arith.constant 0 : i32
        %dma_wait3A_28 = tpu.memref_slice %arg4[%add3A_9, %dma_wait3A_26, %dma_wait3A_27] : memref<1024x200x128xf32, #tpu.memory_space<hbm>> -> memref<1x200x128xf32, #tpu.memory_space<hbm>>
        %dma_wait3A_29 = tpu.memref_squeeze %dma_wait3A_28 : memref<1x200x128xf32, #tpu.memory_space<hbm>> -> memref<200x128xf32, #tpu.memory_space<hbm>>
        tpu.wait_dma2 semaphore(%run_scoped3A : memref<!tpu.dma_semaphore, #tpu.memory_space<semaphore_mem>>) src(%arg6 : memref<200x128xf32, #tpu.memory_space<vmem>>) dst(%dma_wait3A_29 : memref<200x128xf32, #tpu.memory_space<hbm>>)
        tpu.yield
      }) : () -> ()
    }
    %scan3A_5 = arith.constant 32 : i32
    return
  }
}

module attributes {stable_mosaic.version = 14 : i64} {
  func.func @_sel_body(%arg0: memref<256x1xf32, #tpu.memory_space<vmem>>, %arg1: memref<1x256xf32, #tpu.memory_space<vmem>>, %arg2: memref<256x1xf32, #tpu.memory_space<vmem>>, %arg3: memref<1x256xf32, #tpu.memory_space<vmem>>, %arg4: memref<256x1xf32, #tpu.memory_space<vmem>>, %arg5: memref<1x256xf32, #tpu.memory_space<vmem>>, %arg6: memref<256x1xf32, #tpu.memory_space<vmem>>) attributes {dimension_semantics = [], scalar_prefetch = 0 : i64, scratch_operands = 0 : i64, tpu.core_type = #tpu.core_type<tc>} {
    %iota3A = tpu.iota {dimensions = array<i32: 0>} : vector<256x256xi32>
    %iota3A_0 = tpu.iota {dimensions = array<i32: 1>} : vector<256x256xi32>
    %iota3A_1 = tpu.iota {dimensions = array<i32: 0>} : vector<256x1xi32>
    %lt3A = arith.cmpi slt, %iota3A_0, %iota3A : vector<256x256xi32>
    %convert_element_type3A = arith.extui %lt3A : vector<256x256xi1> to vector<256x256xi32>
    %convert_element_type3A_2 = arith.sitofp %convert_element_type3A : vector<256x256xi32> to vector<256x256xf32>
    %get3A = arith.constant 0 : index
    %get3A_3 = arith.constant 0 : index
    %get3A_4 = vector.load %arg0[%get3A, %get3A_3] : memref<256x1xf32, #tpu.memory_space<vmem>>, vector<256x1xf32>
    %get3A_5 = arith.constant 0 : index
    %get3A_6 = arith.constant 0 : index
    %get3A_7 = vector.load %arg1[%get3A_5, %get3A_6] : memref<1x256xf32, #tpu.memory_space<vmem>>, vector<1x256xf32>
    %gt3A = vector.broadcast %get3A_7 : vector<1x256xf32> to vector<256x256xf32>
    %gt3A_8 = vector.broadcast %get3A_4 : vector<256x1xf32> to vector<256x256xf32>
    %gt3A_9 = arith.cmpf ogt, %gt3A, %gt3A_8 : vector<256x256xf32>
    %eq3A = vector.broadcast %get3A_7 : vector<1x256xf32> to vector<256x256xf32>
    %eq3A_10 = vector.broadcast %get3A_4 : vector<256x1xf32> to vector<256x256xf32>
    %eq3A_11 = arith.cmpf oeq, %eq3A, %eq3A_10 : vector<256x256xf32>
    %lt3A_12 = arith.cmpi slt, %iota3A_0, %iota3A : vector<256x256xi32>
    %and3A = arith.andi %eq3A_11, %lt3A_12 : vector<256x256xi1>
    %or3A = arith.ori %gt3A_9, %and3A : vector<256x256xi1>
    %convert_element_type3A_13 = arith.extui %or3A : vector<256x256xi1> to vector<256x256xi32>
    %convert_element_type3A_14 = arith.sitofp %convert_element_type3A_13 : vector<256x256xi32> to vector<256x256xf32>
    %reduce_sum3A = arith.constant dense<0.000000e+00> : vector<256xf32>
    %reduce_sum3A_15 = vector.multi_reduction <add>, %convert_element_type3A_14, %reduce_sum3A [1] : vector<256x256xf32> to vector<256xf32>
    %broadcast_in_dim3A = vector.shape_cast %reduce_sum3A_15 : vector<256xf32> to vector<256x1xf32>
    %lt3A_16 = arith.constant 1.500000e+02 : f32
    %lt3A_17 = vector.broadcast %lt3A_16 : f32 to vector<256x1xf32>
    %lt3A_18 = arith.cmpf olt, %broadcast_in_dim3A, %lt3A_17 : vector<256x1xf32>
    %lt3A_19 = arith.constant 199 : i32
    %lt3A_20 = vector.broadcast %lt3A_19 : i32 to vector<256x1xi32>
    %lt3A_21 = arith.cmpi slt, %iota3A_1, %lt3A_20 : vector<256x1xi32>
    %and3A_22 = arith.andi %lt3A_18, %lt3A_21 : vector<256x1xi1>
    %convert_element_type3A_23 = arith.extui %and3A_22 : vector<256x1xi1> to vector<256x1xi32>
    %convert_element_type3A_24 = arith.sitofp %convert_element_type3A_23 : vector<256x1xi32> to vector<256x1xf32>
    %dot_general3A = arith.constant dense<0.000000e+00> : vector<256x1xf32>
    %dot_general3A_25 = tpu.matmul %convert_element_type3A_2, %convert_element_type3A_24, %dot_general3A {dimension_numbers = #tpu.dot_dimension_numbers<[1], [0], [0], [1], [0, 0, 1, 1], [], []>, transpose_lhs_hint = false} : vector<256x256xf32>, vector<256x1xf32>, vector<256x1xf32> -> vector<256x1xf32>
    %convert_element_type3A_26 = arith.fptosi %dot_general3A_25 : vector<256x1xf32> to vector<256x1xi32>
    %get3A_27 = arith.constant 0 : index
    %get3A_28 = arith.constant 0 : index
    %get3A_29 = vector.load %arg2[%get3A_27, %get3A_28] : memref<256x1xf32, #tpu.memory_space<vmem>>, vector<256x1xf32>
    %get3A_30 = arith.constant 0 : index
    %get3A_31 = arith.constant 0 : index
    %get3A_32 = vector.load %arg3[%get3A_30, %get3A_31] : memref<1x256xf32, #tpu.memory_space<vmem>>, vector<1x256xf32>
    %gt3A_33 = vector.broadcast %get3A_32 : vector<1x256xf32> to vector<256x256xf32>
    %gt3A_34 = vector.broadcast %get3A_29 : vector<256x1xf32> to vector<256x256xf32>
    %gt3A_35 = arith.cmpf ogt, %gt3A_33, %gt3A_34 : vector<256x256xf32>
    %eq3A_36 = vector.broadcast %get3A_32 : vector<1x256xf32> to vector<256x256xf32>
    %eq3A_37 = vector.broadcast %get3A_29 : vector<256x1xf32> to vector<256x256xf32>
    %eq3A_38 = arith.cmpf oeq, %eq3A_36, %eq3A_37 : vector<256x256xf32>
    %lt3A_39 = arith.cmpi slt, %iota3A_0, %iota3A : vector<256x256xi32>
    %and3A_40 = arith.andi %eq3A_38, %lt3A_39 : vector<256x256xi1>
    %or3A_41 = arith.ori %gt3A_35, %and3A_40 : vector<256x256xi1>
    %convert_element_type3A_42 = arith.extui %or3A_41 : vector<256x256xi1> to vector<256x256xi32>
    %convert_element_type3A_43 = arith.sitofp %convert_element_type3A_42 : vector<256x256xi32> to vector<256x256xf32>
    %reduce_sum3A_44 = arith.constant dense<0.000000e+00> : vector<256xf32>
    %reduce_sum3A_45 = vector.multi_reduction <add>, %convert_element_type3A_43, %reduce_sum3A_44 [1] : vector<256x256xf32> to vector<256xf32>
    %broadcast_in_dim3A_46 = vector.shape_cast %reduce_sum3A_45 : vector<256xf32> to vector<256x1xf32>
    %lt3A_47 = arith.constant 1.000000e+02 : f32
    %lt3A_48 = vector.broadcast %lt3A_47 : f32 to vector<256x1xf32>
    %lt3A_49 = arith.cmpf olt, %broadcast_in_dim3A_46, %lt3A_48 : vector<256x1xf32>
    %lt3A_50 = arith.constant 149 : i32
    %lt3A_51 = vector.broadcast %lt3A_50 : i32 to vector<256x1xi32>
    %lt3A_52 = arith.cmpi slt, %iota3A_1, %lt3A_51 : vector<256x1xi32>
    %and3A_53 = arith.andi %lt3A_49, %lt3A_52 : vector<256x1xi1>
    %convert_element_type3A_54 = arith.extui %and3A_53 : vector<256x1xi1> to vector<256x1xi32>
    %convert_element_type3A_55 = arith.sitofp %convert_element_type3A_54 : vector<256x1xi32> to vector<256x1xf32>
    %eq3A_56 = vector.broadcast %convert_element_type3A_26 : vector<256x1xi32> to vector<256x256xi32>
    %eq3A_57 = arith.cmpi eq, %eq3A_56, %iota3A_0 : vector<256x256xi32>
    %convert_element_type3A_58 = arith.extui %eq3A_57 : vector<256x256xi1> to vector<256x256xi32>
    %convert_element_type3A_59 = arith.sitofp %convert_element_type3A_58 : vector<256x256xi32> to vector<256x256xf32>
    %dot_general3A_60 = arith.constant dense<0.000000e+00> : vector<256x1xf32>
    %dot_general3A_61 = tpu.matmul %convert_element_type3A_59, %convert_element_type3A_55, %dot_general3A_60 {dimension_numbers = #tpu.dot_dimension_numbers<[1], [0], [0], [1], [0, 0, 1, 1], [], []>, transpose_lhs_hint = false} : vector<256x256xf32>, vector<256x1xf32>, vector<256x1xf32> -> vector<256x1xf32>
    %le3A = arith.constant 148 : i32
    %le3A_62 = vector.broadcast %le3A : i32 to vector<256x1xi32>
    %le3A_63 = arith.cmpi sle, %convert_element_type3A_26, %le3A_62 : vector<256x1xi32>
    %convert_element_type3A_64 = arith.extui %le3A_63 : vector<256x1xi1> to vector<256x1xi32>
    %convert_element_type3A_65 = arith.sitofp %convert_element_type3A_64 : vector<256x1xi32> to vector<256x1xf32>
    %mul3A = arith.mulf %convert_element_type3A_24, %convert_element_type3A_65 : vector<256x1xf32>
    %mul3A_66 = arith.mulf %mul3A, %dot_general3A_61 : vector<256x1xf32>
    %dot_general3A_67 = arith.constant dense<0.000000e+00> : vector<256x1xf32>
    %dot_general3A_68 = tpu.matmul %convert_element_type3A_2, %mul3A_66, %dot_general3A_67 {dimension_numbers = #tpu.dot_dimension_numbers<[1], [0], [0], [1], [0, 0, 1, 1], [], []>, transpose_lhs_hint = false} : vector<256x256xf32>, vector<256x1xf32>, vector<256x1xf32> -> vector<256x1xf32>
    %convert_element_type3A_69 = arith.fptosi %dot_general3A_68 : vector<256x1xf32> to vector<256x1xi32>
    %get3A_70 = arith.constant 0 : index
    %get3A_71 = arith.constant 0 : index
    %get3A_72 = vector.load %arg4[%get3A_70, %get3A_71] : memref<256x1xf32, #tpu.memory_space<vmem>>, vector<256x1xf32>
    %get3A_73 = arith.constant 0 : index
    %get3A_74 = arith.constant 0 : index
    %get3A_75 = vector.load %arg5[%get3A_73, %get3A_74] : memref<1x256xf32, #tpu.memory_space<vmem>>, vector<1x256xf32>
    %gt3A_76 = vector.broadcast %get3A_75 : vector<1x256xf32> to vector<256x256xf32>
    %gt3A_77 = vector.broadcast %get3A_72 : vector<256x1xf32> to vector<256x256xf32>
    %gt3A_78 = arith.cmpf ogt, %gt3A_76, %gt3A_77 : vector<256x256xf32>
    %eq3A_79 = vector.broadcast %get3A_75 : vector<1x256xf32> to vector<256x256xf32>
    %eq3A_80 = vector.broadcast %get3A_72 : vector<256x1xf32> to vector<256x256xf32>
    %eq3A_81 = arith.cmpf oeq, %eq3A_79, %eq3A_80 : vector<256x256xf32>
    %lt3A_82 = arith.cmpi slt, %iota3A_0, %iota3A : vector<256x256xi32>
    %and3A_83 = arith.andi %eq3A_81, %lt3A_82 : vector<256x256xi1>
    %or3A_84 = arith.ori %gt3A_78, %and3A_83 : vector<256x256xi1>
    %convert_element_type3A_85 = arith.extui %or3A_84 : vector<256x256xi1> to vector<256x256xi32>
    %convert_element_type3A_86 = arith.sitofp %convert_element_type3A_85 : vector<256x256xi32> to vector<256x256xf32>
    %reduce_sum3A_87 = arith.constant dense<0.000000e+00> : vector<256xf32>
    %reduce_sum3A_88 = vector.multi_reduction <add>, %convert_element_type3A_86, %reduce_sum3A_87 [1] : vector<256x256xf32> to vector<256xf32>
    %broadcast_in_dim3A_89 = vector.shape_cast %reduce_sum3A_88 : vector<256xf32> to vector<256x1xf32>
    %lt3A_90 = arith.constant 5.000000e+01 : f32
    %lt3A_91 = vector.broadcast %lt3A_90 : f32 to vector<256x1xf32>
    %lt3A_92 = arith.cmpf olt, %broadcast_in_dim3A_89, %lt3A_91 : vector<256x1xf32>
    %lt3A_93 = arith.constant 99 : i32
    %lt3A_94 = vector.broadcast %lt3A_93 : i32 to vector<256x1xi32>
    %lt3A_95 = arith.cmpi slt, %iota3A_1, %lt3A_94 : vector<256x1xi32>
    %and3A_96 = arith.andi %lt3A_92, %lt3A_95 : vector<256x1xi1>
    %convert_element_type3A_97 = arith.extui %and3A_96 : vector<256x1xi1> to vector<256x1xi32>
    %convert_element_type3A_98 = arith.sitofp %convert_element_type3A_97 : vector<256x1xi32> to vector<256x1xf32>
    %eq3A_99 = vector.broadcast %convert_element_type3A_69 : vector<256x1xi32> to vector<256x256xi32>
    %eq3A_100 = arith.cmpi eq, %eq3A_99, %iota3A_0 : vector<256x256xi32>
    %convert_element_type3A_101 = arith.extui %eq3A_100 : vector<256x256xi1> to vector<256x256xi32>
    %convert_element_type3A_102 = arith.sitofp %convert_element_type3A_101 : vector<256x256xi32> to vector<256x256xf32>
    %dot_general3A_103 = arith.constant dense<0.000000e+00> : vector<256x1xf32>
    %dot_general3A_104 = tpu.matmul %convert_element_type3A_102, %convert_element_type3A_98, %dot_general3A_103 {dimension_numbers = #tpu.dot_dimension_numbers<[1], [0], [0], [1], [0, 0, 1, 1], [], []>, transpose_lhs_hint = false} : vector<256x256xf32>, vector<256x1xf32>, vector<256x1xf32> -> vector<256x1xf32>
    %le3A_105 = arith.constant 98 : i32
    %le3A_106 = vector.broadcast %le3A_105 : i32 to vector<256x1xi32>
    %le3A_107 = arith.cmpi sle, %convert_element_type3A_69, %le3A_106 : vector<256x1xi32>
    %convert_element_type3A_108 = arith.extui %le3A_107 : vector<256x1xi1> to vector<256x1xi32>
    %convert_element_type3A_109 = arith.sitofp %convert_element_type3A_108 : vector<256x1xi32> to vector<256x1xf32>
    %mul3A_110 = arith.mulf %mul3A_66, %convert_element_type3A_109 : vector<256x1xf32>
    %mul3A_111 = arith.mulf %mul3A_110, %dot_general3A_104 : vector<256x1xf32>
    %sub3A = arith.constant 1 : i32
    %sub3A_112 = vector.broadcast %sub3A : i32 to vector<256x256xi32>
    %sub3A_113 = arith.subi %iota3A, %sub3A_112 : vector<256x256xi32>
    %eq3A_114 = arith.cmpi eq, %iota3A_0, %sub3A_113 : vector<256x256xi32>
    %le3A_115 = arith.constant 198 : i32
    %le3A_116 = vector.broadcast %le3A_115 : i32 to vector<256x256xi32>
    %le3A_117 = arith.cmpi sle, %iota3A, %le3A_116 : vector<256x256xi32>
    %and3A_118 = arith.andi %eq3A_114, %le3A_117 : vector<256x256xi1>
    %eq3A_119 = arith.constant 198 : i32
    %eq3A_120 = vector.broadcast %eq3A_119 : i32 to vector<256x256xi32>
    %eq3A_121 = arith.cmpi eq, %iota3A, %eq3A_120 : vector<256x256xi32>
    %eq3A_122 = arith.constant 198 : i32
    %eq3A_123 = vector.broadcast %eq3A_122 : i32 to vector<256x256xi32>
    %eq3A_124 = arith.cmpi eq, %iota3A_0, %eq3A_123 : vector<256x256xi32>
    %and3A_125 = arith.andi %eq3A_121, %eq3A_124 : vector<256x256xi1>
    %or3A_126 = arith.ori %and3A_118, %and3A_125 : vector<256x256xi1>
    %convert_element_type3A_127 = arith.extui %or3A_126 : vector<256x256xi1> to vector<256x256xi32>
    %convert_element_type3A_128 = arith.sitofp %convert_element_type3A_127 : vector<256x256xi32> to vector<256x256xf32>
    %dot_general3A_129 = arith.constant dense<0.000000e+00> : vector<256x1xf32>
    %dot_general3A_130 = tpu.matmul %convert_element_type3A_128, %mul3A_111, %dot_general3A_129 {dimension_numbers = #tpu.dot_dimension_numbers<[1], [0], [0], [1], [0, 0, 1, 1], [], []>, transpose_lhs_hint = false} : vector<256x256xf32>, vector<256x1xf32>, vector<256x1xf32> -> vector<256x1xf32>
    %mul3A_131 = arith.constant 2.000000e-02 : f32
    %mul3A_132 = vector.broadcast %mul3A_131 : f32 to vector<256x1xf32>
    %mul3A_133 = arith.mulf %dot_general3A_130, %mul3A_132 : vector<256x1xf32>
    %swap3A = arith.constant 0 : index
    %swap3A_134 = arith.constant 0 : index
    %swap3A_135 = vector.load %arg6[%swap3A, %swap3A_134] : memref<256x1xf32, #tpu.memory_space<vmem>>, vector<256x1xf32>
    tpu.vector_store %arg6[%swap3A, %swap3A_134], %mul3A_133 {strides = array<i32>} : memref<256x1xf32, #tpu.memory_space<vmem>>, vector<256x1xf32>,
    return
  }
}

module attributes {stable_mosaic.version = 14 : i64} {
  func.func @_main_body(%arg0: i32, %arg1: memref<8x200x128xf32, #tpu.memory_space<vmem>>, %arg2: memref<8x200xi32, #tpu.memory_space<vmem>>, %arg3: memref<1x200x128xf32, #tpu.memory_space<vmem>>, %arg4: memref<1x200x1xf32, #tpu.memory_space<vmem>>, %arg5: memref<8x200x128xf32, #tpu.memory_space<vmem>>, %arg6: memref<8x200x64xf32, #tpu.memory_space<vmem>>, %arg7: memref<8x200x50xf32, #tpu.memory_space<vmem>>, %arg8: memref<128x128xf32, #tpu.memory_space<vmem>>, %arg9: memref<128x128xf32, #tpu.memory_space<vmem>>, %arg10: memref<1x128xf32, #tpu.memory_space<vmem>>, %arg11: memref<1x128xf32, #tpu.memory_space<vmem>>, %arg12: memref<128x64xf32, #tpu.memory_space<vmem>>, %arg13: memref<128x64xf32, #tpu.memory_space<vmem>>, %arg14: memref<1x64xf32, #tpu.memory_space<vmem>>, %arg15: memref<1x64xf32, #tpu.memory_space<vmem>>, %arg16: memref<64x50xf32, #tpu.memory_space<vmem>>, %arg17: memref<64x50xf32, #tpu.memory_space<vmem>>, %arg18: memref<1x50xf32, #tpu.memory_space<vmem>>, %arg19: memref<1x50xf32, #tpu.memory_space<vmem>>, %arg20: memref<1x50xf32, #tpu.memory_space<vmem>>, %arg21: memref<1x50xf32, #tpu.memory_space<vmem>>, %arg22: memref<1x50xf32, #tpu.memory_space<vmem>>, %arg23: memref<1x50xf32, #tpu.memory_space<vmem>>, %arg24: memref<8x200x50xf32, #tpu.memory_space<vmem>>, %arg25: memref<8x200x50xf32, #tpu.memory_space<vmem>>, %arg26: memref<8x1x200x200xi32, #tpu.memory_space<vmem>>) attributes {dimension_semantics = [#tpu.dimension_semantics<parallel>], iteration_bounds = array<i64: 128>, scalar_prefetch = 0 : i64, scratch_operands = 0 : i64, tpu.core_type = #tpu.core_type<tc>, window_params = [{transform_indices = @transform_0, window_bounds = array<i64: 8, 200, 128>}, {transform_indices = @transform_1, window_bounds = array<i64: 8, 200>}, {pipeline_mode = #tpu.pipeline_mode<synchronous>, transform_indices = @transform_2, window_bounds = array<i64: 1, 200, 128>}, {pipeline_mode = #tpu.pipeline_mode<synchronous>, transform_indices = @transform_3, window_bounds = array<i64: 1, 200, 1>}, {transform_indices = @transform_4, window_bounds = array<i64: 8, 200, 128>}, {transform_indices = @transform_5, window_bounds = array<i64: 8, 200, 64>}, {transform_indices = @transform_6, window_bounds = array<i64: 8, 200, 50>}, {pipeline_mode = #tpu.pipeline_mode<synchronous>, transform_indices = @transform_7, window_bounds = array<i64: 128, 128>}, {pipeline_mode = #tpu.pipeline_mode<synchronous>, transform_indices = @transform_8, window_bounds = array<i64: 128, 128>}, {pipeline_mode = #tpu.pipeline_mode<synchronous>, transform_indices = @transform_9, window_bounds = array<i64: 1, 128>}, {pipeline_mode = #tpu.pipeline_mode<synchronous>, transform_indices = @transform_10, window_bounds = array<i64: 1, 128>}, {pipeline_mode = #tpu.pipeline_mode<synchronous>, transform_indices = @transform_11, window_bounds = array<i64: 128, 64>}, {pipeline_mode = #tpu.pipeline_mode<synchronous>, transform_indices = @transform_12, window_bounds = array<i64: 128, 64>}, {pipeline_mode = #tpu.pipeline_mode<synchronous>, transform_indices = @transform_13, window_bounds = array<i64: 1, 64>}, {pipeline_mode = #tpu.pipeline_mode<synchronous>, transform_indices = @transform_14, window_bounds = array<i64: 1, 64>}, {pipeline_mode = #tpu.pipeline_mode<synchronous>, transform_indices = @transform_15, window_bounds = array<i64: 64, 50>}, {pipeline_mode = #tpu.pipeline_mode<synchronous>, transform_indices = @transform_16, window_bounds = array<i64: 64, 50>}, {pipeline_mode = #tpu.pipeline_mode<synchronous>, transform_indices = @transform_17, window_bounds = array<i64: 1, 50>}, {pipeline_mode = #tpu.pipeline_mode<synchronous>, transform_indices = @transform_18, window_bounds = array<i64: 1, 50>}, {pipeline_mode = #tpu.pipeline_mode<synchronous>, transform_indices = @transform_19, window_bounds = array<i64: 1, 50>}, {pipeline_mode = #tpu.pipeline_mode<synchronous>, transform_indices = @transform_20, window_bounds = array<i64: 1, 50>}, {pipeline_mode = #tpu.pipeline_mode<synchronous>, transform_indices = @transform_21, window_bounds = array<i64: 1, 50>}, {pipeline_mode = #tpu.pipeline_mode<synchronous>, transform_indices = @transform_22, window_bounds = array<i64: 1, 50>}, {transform_indices = @transform_23, window_bounds = array<i64: 8, 200, 50>}, {transform_indices = @transform_24, window_bounds = array<i64: 8, 200, 50>}, {transform_indices = @transform_25, window_bounds = array<i64: 8, 1, 200, 200>}]} {
    %get3A = arith.constant 0 : index
    %get3A_0 = arith.constant 0 : index
    %get3A_1 = arith.constant 0 : index
    %get3A_2 = vector.load %arg1[%get3A, %get3A_0, %get3A_1] : memref<8x200x128xf32, #tpu.memory_space<vmem>>, vector<8x200x128xf32>
    %get3A_3 = arith.constant 0 : index
    %get3A_4 = arith.constant 0 : index
    %get3A_5 = arith.constant 0 : index
    %get3A_6 = vector.load %arg3[%get3A_3, %get3A_4, %get3A_5] : memref<1x200x128xf32, #tpu.memory_space<vmem>>, vector<1x200x128xf32>
    %add3A = vector.broadcast %get3A_6 : vector<1x200x128xf32> to vector<8x200x128xf32>
    %add3A_7 = arith.addf %get3A_2, %add3A : vector<8x200x128xf32>
    %get3A_8 = arith.constant 0 : index
    %get3A_9 = arith.constant 0 : index
    %get3A_10 = arith.constant 0 : index
    %get3A_11 = vector.load %arg4[%get3A_8, %get3A_9, %get3A_10] : memref<1x200x1xf32, #tpu.memory_space<vmem>>, vector<1x200x1xf32>
    %mul3A = vector.broadcast %get3A_11 : vector<1x200x1xf32> to vector<8x200x128xf32>
    %mul3A_12 = arith.mulf %add3A_7, %mul3A : vector<8x200x128xf32>
    %reduce_sum3A = arith.constant dense<0.000000e+00> : vector<8x128xf32>
    %reduce_sum3A_13 = vector.multi_reduction <add>, %mul3A_12, %reduce_sum3A [1] : vector<8x200x128xf32> to vector<8x128xf32>
    %broadcast_in_dim3A = vector.shape_cast %reduce_sum3A_13 : vector<8x128xf32> to vector<8x1x128xf32>
    %iota3A = tpu.iota {dimensions = array<i32: 1>} : vector<8x200x1xi32>
    %eq3A = arith.constant 199 : i32
    %eq3A_14 = vector.broadcast %eq3A : i32 to vector<8x200x1xi32>
    %eq3A_15 = arith.cmpi eq, %iota3A, %eq3A_14 : vector<8x200x1xi32>
    %broadcast_in_dim3A_16 = vector.shape_cast %broadcast_in_dim3A : vector<8x1x128xf32> to vector<8x1x128xf32>
    %broadcast_in_dim3A_17 = vector.broadcast %broadcast_in_dim3A_16 : vector<8x1x128xf32> to vector<8x200x128xf32>
    %broadcast_in_dim3A_18 = vector.shape_cast %eq3A_15 : vector<8x200x1xi1> to vector<8x200x1xi1>
    %broadcast_in_dim3A_19 = vector.broadcast %broadcast_in_dim3A_18 : vector<8x200x1xi1> to vector<8x200x128xi1>
    %select_n3A = arith.select %broadcast_in_dim3A_19, %broadcast_in_dim3A_17, %add3A_7 : vector<8x200x128xi1>, vector<8x200x128xf32>
    %reshape3A = vector.shape_cast %select_n3A : vector<8x200x128xf32> to vector<1600x128xf32>
    %get3A_20 = arith.constant 0 : index
    %get3A_21 = arith.constant 0 : index
    %get3A_22 = vector.load %arg9[%get3A_20, %get3A_21] : memref<128x128xf32, #tpu.memory_space<vmem>>, vector<128x128xf32>
    %dot_general3A = arith.constant dense<0.000000e+00> : vector<1600x128xf32>
    %dot_general3A_23 = tpu.matmul %reshape3A, %get3A_22, %dot_general3A {dimension_numbers = #tpu.dot_dimension_numbers<[1], [0], [0], [1], [0, 0, 1, 1], [], []>, transpose_lhs_hint = false} : vector<1600x128xf32>, vector<128x128xf32>, vector<1600x128xf32> -> vector<1600x128xf32>
    %get3A_24 = arith.constant 0 : index
    %get3A_25 = arith.constant 0 : index
    %get3A_26 = vector.load %arg11[%get3A_24, %get3A_25] : memref<1x128xf32, #tpu.memory_space<vmem>>, vector<1x128xf32>
    %add3A_27 = vector.broadcast %get3A_26 : vector<1x128xf32> to vector<1600x128xf32>
    %add3A_28 = arith.addf %dot_general3A_23, %add3A_27 : vector<1600x128xf32>
    %max3A = arith.constant 0.000000e+00 : f32
    %max3A_29 = vector.broadcast %max3A : f32 to vector<1600x128xf32>
    %max3A_30 = arith.maximumf %add3A_28, %max3A_29 : vector<1600x128xf32>
    %abs3A = math.absf %add3A_28 : vector<1600x128xf32>
    %neg3A = arith.constant 0.000000e+00 : f32
    %neg3A_31 = vector.broadcast %neg3A : f32 to vector<1600x128xf32>
    %neg3A_32 = arith.subf %neg3A_31, %abs3A : vector<1600x128xf32>
    %exp3A = math.exp %neg3A_32 : vector<1600x128xf32>
    %log1p3A = math.log1p %exp3A : vector<1600x128xf32>
    %add3A_33 = arith.addf %max3A_30, %log1p3A : vector<1600x128xf32>
    %get3A_34 = arith.constant 0 : index
    %get3A_35 = arith.constant 0 : index
    %get3A_36 = vector.load %arg8[%get3A_34, %get3A_35] : memref<128x128xf32, #tpu.memory_space<vmem>>, vector<128x128xf32>
    %dot_general3A_37 = arith.constant dense<0.000000e+00> : vector<1600x128xf32>
    %dot_general3A_38 = tpu.matmul %reshape3A, %get3A_36, %dot_general3A_37 {dimension_numbers = #tpu.dot_dimension_numbers<[1], [0], [0], [1], [0, 0, 1, 1], [], []>, transpose_lhs_hint = false} : vector<1600x128xf32>, vector<128x128xf32>, vector<1600x128xf32> -> vector<1600x128xf32>
    %get3A_39 = arith.constant 0 : index
    %get3A_40 = arith.constant 0 : index
    %get3A_41 = vector.load %arg10[%get3A_39, %get3A_40] : memref<1x128xf32, #tpu.memory_space<vmem>>, vector<1x128xf32>
    %add3A_42 = vector.broadcast %get3A_41 : vector<1x128xf32> to vector<1600x128xf32>
    %add3A_43 = arith.addf %dot_general3A_38, %add3A_42 : vector<1600x128xf32>
    %get3A_44 = arith.constant 0 : index
    %get3A_45 = arith.constant 0 : index
    %get3A_46 = arith.constant 0 : index
    %get3A_47 = vector.load %arg5[%get3A_44, %get3A_45, %get3A_46] : memref<8x200x128xf32, #tpu.memory_space<vmem>>, vector<8x200x128xf32>
    %reshape3A_48 = vector.shape_cast %get3A_47 : vector<8x200x128xf32> to vector<1600x128xf32>
    %mul3A_49 = arith.mulf %add3A_33, %reshape3A_48 : vector<1600x128xf32>
    %add3A_50 = arith.addf %add3A_43, %mul3A_49 : vector<1600x128xf32>
    %get3A_51 = arith.constant 0 : index
    %get3A_52 = arith.constant 0 : index
    %get3A_53 = vector.load %arg13[%get3A_51, %get3A_52] : memref<128x64xf32, #tpu.memory_space<vmem>>, vector<128x64xf32>
    %dot_general3A_54 = arith.constant dense<0.000000e+00> : vector<1600x64xf32>
    %dot_general3A_55 = tpu.matmul %add3A_50, %get3A_53, %dot_general3A_54 {dimension_numbers = #tpu.dot_dimension_numbers<[1], [0], [0], [1], [0, 0, 1, 1], [], []>, transpose_lhs_hint = false} : vector<1600x128xf32>, vector<128x64xf32>, vector<1600x64xf32> -> vector<1600x64xf32>
    %get3A_56 = arith.constant 0 : index
    %get3A_57 = arith.constant 0 : index
    %get3A_58 = vector.load %arg15[%get3A_56, %get3A_57] : memref<1x64xf32, #tpu.memory_space<vmem>>, vector<1x64xf32>
    %add3A_59 = vector.broadcast %get3A_58 : vector<1x64xf32> to vector<1600x64xf32>
    %add3A_60 = arith.addf %dot_general3A_55, %add3A_59 : vector<1600x64xf32>
    %max3A_61 = arith.constant 0.000000e+00 : f32
    %max3A_62 = vector.broadcast %max3A_61 : f32 to vector<1600x64xf32>
    %max3A_63 = arith.maximumf %add3A_60, %max3A_62 : vector<1600x64xf32>
    %abs3A_64 = math.absf %add3A_60 : vector<1600x64xf32>
    %neg3A_65 = arith.constant 0.000000e+00 : f32
    %neg3A_66 = vector.broadcast %neg3A_65 : f32 to vector<1600x64xf32>
    %neg3A_67 = arith.subf %neg3A_66, %abs3A_64 : vector<1600x64xf32>
    %exp3A_68 = math.exp %neg3A_67 : vector<1600x64xf32>
    %log1p3A_69 = math.log1p %exp3A_68 : vector<1600x64xf32>
    %add3A_70 = arith.addf %max3A_63, %log1p3A_69 : vector<1600x64xf32>
    %get3A_71 = arith.constant 0 : index
    %get3A_72 = arith.constant 0 : index
    %get3A_73 = vector.load %arg12[%get3A_71, %get3A_72] : memref<128x64xf32, #tpu.memory_space<vmem>>, vector<128x64xf32>
    %dot_general3A_74 = arith.constant dense<0.000000e+00> : vector<1600x64xf32>
    %dot_general3A_75 = tpu.matmul %add3A_50, %get3A_73, %dot_general3A_74 {dimension_numbers = #tpu.dot_dimension_numbers<[1], [0], [0], [1], [0, 0, 1, 1], [], []>, transpose_lhs_hint = false} : vector<1600x128xf32>, vector<128x64xf32>, vector<1600x64xf32> -> vector<1600x64xf32>
    %get3A_76 = arith.constant 0 : index
    %get3A_77 = arith.constant 0 : index
    %get3A_78 = vector.load %arg14[%get3A_76, %get3A_77] : memref<1x64xf32, #tpu.memory_space<vmem>>, vector<1x64xf32>
    %add3A_79 = vector.broadcast %get3A_78 : vector<1x64xf32> to vector<1600x64xf32>
    %add3A_80 = arith.addf %dot_general3A_75, %add3A_79 : vector<1600x64xf32>
    %get3A_81 = arith.constant 0 : index
    %get3A_82 = arith.constant 0 : index
    %get3A_83 = arith.constant 0 : index
    %get3A_84 = vector.load %arg6[%get3A_81, %get3A_82, %get3A_83] : memref<8x200x64xf32, #tpu.memory_space<vmem>>, vector<8x200x64xf32>
    %reshape3A_85 = vector.shape_cast %get3A_84 : vector<8x200x64xf32> to vector<1600x64xf32>
    %mul3A_86 = arith.mulf %add3A_70, %reshape3A_85 : vector<1600x64xf32>
    %add3A_87 = arith.addf %add3A_80, %mul3A_86 : vector<1600x64xf32>
    %get3A_88 = arith.constant 0 : index
    %get3A_89 = arith.constant 0 : index
    %get3A_90 = vector.load %arg16[%get3A_88, %get3A_89] : memref<64x50xf32, #tpu.memory_space<vmem>>, vector<64x50xf32>
    %dot_general3A_91 = arith.constant dense<0.000000e+00> : vector<1600x50xf32>
    %dot_general3A_92 = tpu.matmul %add3A_87, %get3A_90, %dot_general3A_91 {dimension_numbers = #tpu.dot_dimension_numbers<[1], [0], [0], [1], [0, 0, 1, 1], [], []>, transpose_lhs_hint = false} : vector<1600x64xf32>, vector<64x50xf32>, vector<1600x50xf32> -> vector<1600x50xf32>
    %get3A_93 = arith.constant 0 : index
    %get3A_94 = arith.constant 0 : index
    %get3A_95 = vector.load %arg18[%get3A_93, %get3A_94] : memref<1x50xf32, #tpu.memory_space<vmem>>, vector<1x50xf32>
    %add3A_96 = vector.broadcast %get3A_95 : vector<1x50xf32> to vector<1600x50xf32>
    %add3A_97 = arith.addf %dot_general3A_92, %add3A_96 : vector<1600x50xf32>
    %get3A_98 = arith.constant 0 : index
    %get3A_99 = arith.constant 0 : index
    %get3A_100 = vector.load %arg17[%get3A_98, %get3A_99] : memref<64x50xf32, #tpu.memory_space<vmem>>, vector<64x50xf32>
    %dot_general3A_101 = arith.constant dense<0.000000e+00> : vector<1600x50xf32>
    %dot_general3A_102 = tpu.matmul %add3A_87, %get3A_100, %dot_general3A_101 {dimension_numbers = #tpu.dot_dimension_numbers<[1], [0], [0], [1], [0, 0, 1, 1], [], []>, transpose_lhs_hint = false} : vector<1600x64xf32>, vector<64x50xf32>, vector<1600x50xf32> -> vector<1600x50xf32>
    %get3A_103 = arith.constant 0 : index
    %get3A_104 = arith.constant 0 : index
    %get3A_105 = vector.load %arg19[%get3A_103, %get3A_104] : memref<1x50xf32, #tpu.memory_space<vmem>>, vector<1x50xf32>
    %add3A_106 = vector.broadcast %get3A_105 : vector<1x50xf32> to vector<1600x50xf32>
    %add3A_107 = arith.addf %dot_general3A_102, %add3A_106 : vector<1600x50xf32>
    %max3A_108 = arith.constant 0.000000e+00 : f32
    %max3A_109 = vector.broadcast %max3A_108 : f32 to vector<1600x50xf32>
    %max3A_110 = arith.maximumf %add3A_107, %max3A_109 : vector<1600x50xf32>
    %abs3A_111 = math.absf %add3A_107 : vector<1600x50xf32>
    %neg3A_112 = arith.constant 0.000000e+00 : f32
    %neg3A_113 = vector.broadcast %neg3A_112 : f32 to vector<1600x50xf32>
    %neg3A_114 = arith.subf %neg3A_113, %abs3A_111 : vector<1600x50xf32>
    %exp3A_115 = math.exp %neg3A_114 : vector<1600x50xf32>
    %log1p3A_116 = math.log1p %exp3A_115 : vector<1600x50xf32>
    %add3A_117 = arith.addf %max3A_110, %log1p3A_116 : vector<1600x50xf32>
    %get3A_118 = arith.constant 0 : index
    %get3A_119 = arith.constant 0 : index
    %get3A_120 = arith.constant 0 : index
    %get3A_121 = vector.load %arg7[%get3A_118, %get3A_119, %get3A_120] : memref<8x200x50xf32, #tpu.memory_space<vmem>>, vector<8x200x50xf32>
    %reshape3A_122 = vector.shape_cast %get3A_121 : vector<8x200x50xf32> to vector<1600x50xf32>
    %mul3A_123 = arith.mulf %add3A_117, %reshape3A_122 : vector<1600x50xf32>
    %add3A_124 = arith.addf %add3A_97, %mul3A_123 : vector<1600x50xf32>
    %get3A_125 = arith.constant 0 : index
    %get3A_126 = arith.constant 0 : index
    %get3A_127 = vector.load %arg22[%get3A_125, %get3A_126] : memref<1x50xf32, #tpu.memory_space<vmem>>, vector<1x50xf32>
    %get3A_128 = arith.constant 0 : index
    %get3A_129 = arith.constant 0 : index
    %get3A_130 = vector.load %arg23[%get3A_128, %get3A_129] : memref<1x50xf32, #tpu.memory_space<vmem>>, vector<1x50xf32>
    %div3A = vector.broadcast %get3A_127 : vector<1x50xf32> to vector<1600x50xf32>
    %div3A_131 = arith.divf %div3A, %add3A_117 : vector<1600x50xf32>
    %log3A = math.log %div3A_131 : vector<1600x50xf32>
    %sub3A = arith.constant 5.000000e-01 : f32
    %sub3A_132 = vector.broadcast %sub3A : f32 to vector<1600x50xf32>
    %sub3A_133 = arith.subf %log3A, %sub3A_132 : vector<1600x50xf32>
    %sub3A_134 = vector.broadcast %get3A_130 : vector<1x50xf32> to vector<1600x50xf32>
    %sub3A_135 = arith.subf %add3A_97, %sub3A_134 : vector<1600x50xf32>
    %integer_pow3A = arith.mulf %sub3A_135, %sub3A_135 : vector<1600x50xf32>
    %integer_pow3A_136 = arith.mulf %add3A_117, %add3A_117 : vector<1600x50xf32>
    %add3A_137 = arith.addf %integer_pow3A, %integer_pow3A_136 : vector<1600x50xf32>
    %integer_pow3A_138 = arith.mulf %get3A_127, %get3A_127 : vector<1x50xf32>
    %div3A_139 = vector.broadcast %integer_pow3A_138 : vector<1x50xf32> to vector<1600x50xf32>
    %div3A_140 = arith.divf %add3A_137, %div3A_139 : vector<1600x50xf32>
    %div3A_141 = arith.constant 2.000000e+00 : f32
    %div3A_142 = vector.broadcast %div3A_141 : f32 to vector<1600x50xf32>
    %div3A_143 = arith.divf %div3A_140, %div3A_142 : vector<1600x50xf32>
    %add3A_144 = arith.addf %sub3A_133, %div3A_143 : vector<1600x50xf32>
    %reduce_sum3A_145 = arith.constant dense<0.000000e+00> : vector<1600xf32>
    %reduce_sum3A_146 = vector.multi_reduction <add>, %add3A_124, %reduce_sum3A_145 [1] : vector<1600x50xf32> to vector<1600xf32>
    %broadcast_in_dim3A_147 = vector.shape_cast %reduce_sum3A_146 : vector<1600xf32> to vector<1600x1xf32>
    %div3A_148 = arith.constant 5.000000e+01 : f32
    %div3A_149 = vector.broadcast %div3A_148 : f32 to vector<1600x1xf32>
    %div3A_150 = arith.divf %broadcast_in_dim3A_147, %div3A_149 : vector<1600x1xf32>
    %sub3A_151 = vector.broadcast %div3A_150 : vector<1600x1xf32> to vector<1600x50xf32>
    %sub3A_152 = arith.subf %add3A_124, %sub3A_151 : vector<1600x50xf32>
    %integer_pow3A_153 = arith.mulf %sub3A_152, %sub3A_152 : vector<1600x50xf32>
    %reduce_sum3A_154 = arith.constant dense<0.000000e+00> : vector<1600xf32>
    %reduce_sum3A_155 = vector.multi_reduction <add>, %integer_pow3A_153, %reduce_sum3A_154 [1] : vector<1600x50xf32> to vector<1600xf32>
    %broadcast_in_dim3A_156 = vector.shape_cast %reduce_sum3A_155 : vector<1600xf32> to vector<1600x1xf32>
    %div3A_157 = arith.constant 5.000000e+01 : f32
    %div3A_158 = vector.broadcast %div3A_157 : f32 to vector<1600x1xf32>
    %div3A_159 = arith.divf %broadcast_in_dim3A_156, %div3A_158 : vector<1600x1xf32>
    %get3A_160 = arith.constant 0 : index
    %get3A_161 = arith.constant 0 : index
    %get3A_162 = vector.load %arg20[%get3A_160, %get3A_161] : memref<1x50xf32, #tpu.memory_space<vmem>>, vector<1x50xf32>
    %sub3A_163 = vector.broadcast %div3A_150 : vector<1600x1xf32> to vector<1600x50xf32>
    %sub3A_164 = arith.subf %add3A_124, %sub3A_163 : vector<1600x50xf32>
    %mul3A_165 = vector.broadcast %get3A_162 : vector<1x50xf32> to vector<1600x50xf32>
    %mul3A_166 = arith.mulf %mul3A_165, %sub3A_164 : vector<1600x50xf32>
    %add3A_167 = arith.constant 9.99999997E-7 : f32
    %add3A_168 = vector.broadcast %add3A_167 : f32 to vector<1600x1xf32>
    %add3A_169 = arith.addf %div3A_159, %add3A_168 : vector<1600x1xf32>
    %sqrt3A = math.sqrt %add3A_169 : vector<1600x1xf32>
    %div3A_170 = vector.broadcast %sqrt3A : vector<1600x1xf32> to vector<1600x50xf32>
    %div3A_171 = arith.divf %mul3A_166, %div3A_170 : vector<1600x50xf32>
    %get3A_172 = arith.constant 0 : index
    %get3A_173 = arith.constant 0 : index
    %get3A_174 = vector.load %arg21[%get3A_172, %get3A_173] : memref<1x50xf32, #tpu.memory_space<vmem>>, vector<1x50xf32>
    %add3A_175 = vector.broadcast %get3A_174 : vector<1x50xf32> to vector<1600x50xf32>
    %add3A_176 = arith.addf %div3A_171, %add3A_175 : vector<1600x50xf32>
    %reshape3A_177 = vector.shape_cast %add3A_176 : vector<1600x50xf32> to vector<8x200x50xf32>
    %swap3A = arith.constant 0 : index
    %swap3A_178 = arith.constant 0 : index
    %swap3A_179 = arith.constant 0 : index
    %swap3A_180 = vector.load %arg24[%swap3A, %swap3A_178, %swap3A_179] : memref<8x200x50xf32, #tpu.memory_space<vmem>>, vector<8x200x50xf32>
    tpu.vector_store %arg24[%swap3A, %swap3A_178, %swap3A_179], %reshape3A_177 {strides = array<i32>} : memref<8x200x50xf32, #tpu.memory_space<vmem>>, vector<8x200x50xf32>,
    %reshape3A_181 = vector.shape_cast %add3A_144 : vector<1600x50xf32> to vector<8x200x50xf32>
    %swap3A_182 = arith.constant 0 : index
    %swap3A_183 = arith.constant 0 : index
    %swap3A_184 = arith.constant 0 : index
    %swap3A_185 = vector.load %arg25[%swap3A_182, %swap3A_183, %swap3A_184] : memref<8x200x50xf32, #tpu.memory_space<vmem>>, vector<8x200x50xf32>
    tpu.vector_store %arg25[%swap3A_182, %swap3A_183, %swap3A_184], %reshape3A_181 {strides = array<i32>} : memref<8x200x50xf32, #tpu.memory_space<vmem>>, vector<8x200x50xf32>,
    %get3A_186 = arith.constant 0 : index
    %get3A_187 = arith.constant 0 : index
    %get3A_188 = vector.load %arg2[%get3A_186, %get3A_187] : memref<8x200xi32, #tpu.memory_space<vmem>>, vector<8x200xi32>
    %gt3A = arith.constant 0 : i32
    %gt3A_189 = vector.broadcast %gt3A : i32 to vector<8x200xi32>
    %gt3A_190 = arith.cmpi sgt, %get3A_188, %gt3A_189 : vector<8x200xi32>
    %broadcast_in_dim3A_191 = vector.shape_cast %gt3A_190 : vector<8x200xi1> to vector<8x1x1x200xi1>
    %broadcast_in_dim3A_192 = vector.shape_cast %broadcast_in_dim3A_191 : vector<8x1x1x200xi1> to vector<8x1x1x200xi1>
    %broadcast_in_dim3A_193 = vector.broadcast %broadcast_in_dim3A_192 : vector<8x1x1x200xi1> to vector<8x1x200x200xi1>
    %swap3A_194 = arith.constant 0 : index
    %swap3A_195 = arith.constant 0 : index
    %swap3A_196 = arith.constant 0 : index
    %swap3A_197 = arith.constant 0 : index
    %swap3A_198 = vector.load %arg26[%swap3A_194, %swap3A_195, %swap3A_196, %swap3A_197] : memref<8x1x200x200xi32, #tpu.memory_space<vmem>>, vector<8x1x200x200xi32>
    %swap3A_199 = arith.extui %broadcast_in_dim3A_193 : vector<8x1x200x200xi1> to vector<8x1x200x200xi32>
    %swap3A_200 = arith.constant dense<0> : vector<8x1x200x200xi32>
    %swap3A_201 = arith.cmpi ne, %swap3A_198, %swap3A_200 : vector<8x1x200x200xi32>
    tpu.vector_store %arg26[%swap3A_194, %swap3A_195, %swap3A_196, %swap3A_197], %swap3A_199 {strides = array<i32>} : memref<8x1x200x200xi32, #tpu.memory_space<vmem>>, vector<8x1x200x200xi32>,
    return
  }
  func.func @transform_0(%arg0: i32) -> (i32, i32, i32) {
    %c0_i32 = arith.constant 0 : i32
    %c0_i32_0 = arith.constant 0 : i32
    %c0_i32_1 = arith.constant 0 : i32
    return %arg0, %c0_i32, %c0_i32_0 : i32, i32, i32
  }
  func.func @transform_1(%arg0: i32) -> (i32, i32) {
    %c0_i32 = arith.constant 0 : i32
    %c0_i32_0 = arith.constant 0 : i32
    return %arg0, %c0_i32 : i32, i32
  }
  func.func @transform_2(%arg0: i32) -> (i32, i32, i32) {
    %c0_i32 = arith.constant 0 : i32
    %c0_i32_0 = arith.constant 0 : i32
    %c0_i32_1 = arith.constant 0 : i32
    %c0_i32_2 = arith.constant 0 : i32
    return %c0_i32, %c0_i32_0, %c0_i32_1 : i32, i32, i32
  }
  func.func @transform_3(%arg0: i32) -> (i32, i32, i32) {
    %c0_i32 = arith.constant 0 : i32
    %c0_i32_0 = arith.constant 0 : i32
    %c0_i32_1 = arith.constant 0 : i32
    %c0_i32_2 = arith.constant 0 : i32
    return %c0_i32, %c0_i32_0, %c0_i32_1 : i32, i32, i32
  }
  func.func @transform_4(%arg0: i32) -> (i32, i32, i32) {
    %c0_i32 = arith.constant 0 : i32
    %c0_i32_0 = arith.constant 0 : i32
    %c0_i32_1 = arith.constant 0 : i32
    return %arg0, %c0_i32, %c0_i32_0 : i32, i32, i32
  }
  func.func @transform_5(%arg0: i32) -> (i32, i32, i32) {
    %c0_i32 = arith.constant 0 : i32
    %c0_i32_0 = arith.constant 0 : i32
    %c0_i32_1 = arith.constant 0 : i32
    return %arg0, %c0_i32, %c0_i32_0 : i32, i32, i32
  }
  func.func @transform_6(%arg0: i32) -> (i32, i32, i32) {
    %c0_i32 = arith.constant 0 : i32
    %c0_i32_0 = arith.constant 0 : i32
    %c0_i32_1 = arith.constant 0 : i32
    return %arg0, %c0_i32, %c0_i32_0 : i32, i32, i32
  }
  func.func @transform_7(%arg0: i32) -> (i32, i32) {
    %c0_i32 = arith.constant 0 : i32
    %c0_i32_0 = arith.constant 0 : i32
    %c0_i32_1 = arith.constant 0 : i32
    return %c0_i32, %c0_i32_0 : i32, i32
  }
  func.func @transform_8(%arg0: i32) -> (i32, i32) {
    %c0_i32 = arith.constant 0 : i32
    %c0_i32_0 = arith.constant 0 : i32
    %c0_i32_1 = arith.constant 0 : i32
    return %c0_i32, %c0_i32_0 : i32, i32
  }
  func.func @transform_9(%arg0: i32) -> (i32, i32) {
    %c0_i32 = arith.constant 0 : i32
    %c0_i32_0 = arith.constant 0 : i32
    %c0_i32_1 = arith.constant 0 : i32
    return %c0_i32, %c0_i32_0 : i32, i32
  }
  func.func @transform_10(%arg0: i32) -> (i32, i32) {
    %c0_i32 = arith.constant 0 : i32
    %c0_i32_0 = arith.constant 0 : i32
    %c0_i32_1 = arith.constant 0 : i32
    return %c0_i32, %c0_i32_0 : i32, i32
  }
  func.func @transform_11(%arg0: i32) -> (i32, i32) {
    %c0_i32 = arith.constant 0 : i32
    %c0_i32_0 = arith.constant 0 : i32
    %c0_i32_1 = arith.constant 0 : i32
    return %c0_i32, %c0_i32_0 : i32, i32
  }
  func.func @transform_12(%arg0: i32) -> (i32, i32) {
    %c0_i32 = arith.constant 0 : i32
    %c0_i32_0 = arith.constant 0 : i32
    %c0_i32_1 = arith.constant 0 : i32
    return %c0_i32, %c0_i32_0 : i32, i32
  }
  func.func @transform_13(%arg0: i32) -> (i32, i32) {
    %c0_i32 = arith.constant 0 : i32
    %c0_i32_0 = arith.constant 0 : i32
    %c0_i32_1 = arith.constant 0 : i32
    return %c0_i32, %c0_i32_0 : i32, i32
  }
  func.func @transform_14(%arg0: i32) -> (i32, i32) {
    %c0_i32 = arith.constant 0 : i32
    %c0_i32_0 = arith.constant 0 : i32
    %c0_i32_1 = arith.constant 0 : i32
    return %c0_i32, %c0_i32_0 : i32, i32
  }
  func.func @transform_15(%arg0: i32) -> (i32, i32) {
    %c0_i32 = arith.constant 0 : i32
    %c0_i32_0 = arith.constant 0 : i32
    %c0_i32_1 = arith.constant 0 : i32
    return %c0_i32, %c0_i32_0 : i32, i32
  }
  func.func @transform_16(%arg0: i32) -> (i32, i32) {
    %c0_i32 = arith.constant 0 : i32
    %c0_i32_0 = arith.constant 0 : i32
    %c0_i32_1 = arith.constant 0 : i32
    return %c0_i32, %c0_i32_0 : i32, i32
  }
  func.func @transform_17(%arg0: i32) -> (i32, i32) {
    %c0_i32 = arith.constant 0 : i32
    %c0_i32_0 = arith.constant 0 : i32
    %c0_i32_1 = arith.constant 0 : i32
    return %c0_i32, %c0_i32_0 : i32, i32
  }
  func.func @transform_18(%arg0: i32) -> (i32, i32) {
    %c0_i32 = arith.constant 0 : i32
    %c0_i32_0 = arith.constant 0 : i32
    %c0_i32_1 = arith.constant 0 : i32
    return %c0_i32, %c0_i32_0 : i32, i32
  }
  func.func @transform_19(%arg0: i32) -> (i32, i32) {
    %c0_i32 = arith.constant 0 : i32
    %c0_i32_0 = arith.constant 0 : i32
    %c0_i32_1 = arith.constant 0 : i32
    return %c0_i32, %c0_i32_0 : i32, i32
  }
  func.func @transform_20(%arg0: i32) -> (i32, i32) {
    %c0_i32 = arith.constant 0 : i32
    %c0_i32_0 = arith.constant 0 : i32
    %c0_i32_1 = arith.constant 0 : i32
    return %c0_i32, %c0_i32_0 : i32, i32
  }
  func.func @transform_21(%arg0: i32) -> (i32, i32) {
    %c0_i32 = arith.constant 0 : i32
    %c0_i32_0 = arith.constant 0 : i32
    %c0_i32_1 = arith.constant 0 : i32
    return %c0_i32, %c0_i32_0 : i32, i32
  }
  func.func @transform_22(%arg0: i32) -> (i32, i32) {
    %c0_i32 = arith.constant 0 : i32
    %c0_i32_0 = arith.constant 0 : i32
    %c0_i32_1 = arith.constant 0 : i32
    return %c0_i32, %c0_i32_0 : i32, i32
  }
  func.func @transform_23(%arg0: i32) -> (i32, i32, i32) {
    %c0_i32 = arith.constant 0 : i32
    %c0_i32_0 = arith.constant 0 : i32
    %c0_i32_1 = arith.constant 0 : i32
    return %arg0, %c0_i32, %c0_i32_0 : i32, i32, i32
  }
  func.func @transform_24(%arg0: i32) -> (i32, i32, i32) {
    %c0_i32 = arith.constant 0 : i32
    %c0_i32_0 = arith.constant 0 : i32
    %c0_i32_1 = arith.constant 0 : i32
    return %arg0, %c0_i32, %c0_i32_0 : i32, i32, i32
  }
  func.func @transform_25(%arg0: i32) -> (i32, i32, i32, i32) {
    %c0_i32 = arith.constant 0 : i32
    %c0_i32_0 = arith.constant 0 : i32
    %c0_i32_1 = arith.constant 0 : i32
    %c0_i32_2 = arith.constant 0 : i32
    return %arg0, %c0_i32, %c0_i32_0, %c0_i32_1 : i32, i32, i32, i32
  }
}

</mosaic_0001>

<sc_bundles>
// kernel: kernel.5.cloned.1.call-start
scs
__scs_entry_jumppad:
0x0: {  	(pc) =	sbr.rel $0x88, $3  }
0x1: {  	(tag) =	ssettag $0x0;
	lr =	simm.s32 $0x1  }
0x2: {  	[smem:$0x3F91] =	sst lr;
	_ =	strace $0xD0000000  }
0x3: {  	_ = 	snop  }
0x4: {  	_ = 	snop  }
0x5: {  	_ = 	snop  }
0x6: {  	_ = 	snop  }
0x7: {  	_ = 	snop  }
__scs_overlays_trampoline_lowered:
0x8: {  	[smem:$0x3FA0] =	sst s0  }
0x9: {  	[smem:$0x3FA1] =	sst s1  }
0xa: {  	[smem:$0x3FA2] =	sst s2  }
0xb: {  	[smem:$0x3FA3] =	sst s3  }
0xc: {  	[smem:$0x3FA4] =	sst s4  }
0xd: {  	[smem:$0x3FA5] =	sst s5  }
0xe: {  	[smem:$0x3FA6] =	sst s6  }
0xf: {  	[smem:$0x3FA7] =	sst s7  }
0x10: {  	[smem:$0x3FA8] =	sst s8  }
0x11: {  	[smem:$0x3FA9] =	sst s9;
	s0 =	simm.s32 @!p0 $0x0  }
0x12: {  	s1 =	sld [smem:$0x3F8F];
	s0 =	simm.s32 @p0 $0x1  }
0x13: {  	[smem:$0x3FAA] =	sst s0;
	s0 =	simm.s32 @!p1 $0x0  }
0x14: {  	s2 =	sld [smem:$0x3F8E];
	s0 =	simm.s32 @p1 $0x1  }
0x15: {  	[smem:$0x3FAB] =	sst s0;
	s0 =	simm.s32 @!p2 $0x0  }
0x16: {  	s3 =	sld [smem:$0x3FDB];
	s0 =	simm.s32 @p2 $0x1  }
0x17: {  	s4 =	simm.s32 $0x1BF5;
	[smem:$0x3FAD] =	sst s0  }
0x18: {  	s0 =	sld [smem:$0x3F90];
	_ =	swait.ge [sflag:s4], $0x0  }
0x19: {  	s7 =	sld [smem:$0x3F91]  }
0x1a: {  	s8 =	sadd.s32 $0xFFFFE003, lr  }
0x1b: {  	s9 =	sadd.s32 $0xFFFFFEF7, lr;
	s5 =	simm.s32 $0xFFFFFFFF;
	p2 =	slt.u32 s8, $0xFFFFF086  }
0x1c: {  	p1 =	slt.u32 s9, $0xF7A;
	s5 =	simm.s32 @!p2 $0x0  }
0x1d: {  	s5 =	simm.s32 @p1 $0x1;
	p0 =	seq.s32 s7, s2  }
0x1e: {  	s7 =	smul.u32 @!p0 $0xF7A, s2;
	p2 =	seq.s32 @!p0 s5, $0x0  }
0x1f: {  	s9 =	smul.u32 $0xF7A, s1;
	s8 =	simm.s32 @!p0 $0x1BF5;
	p2 =	por !p2, p0  }
0x20: {  	[sflag:s8] =	ssyncset.s32 @!p0 $0xFFFFF086;
	s6 =	sadd.s32 @!p0 s3, s7;
	s7 =	simm.s32 @!p0 $0x108  }
0x21: {  	s3 =	sadd.s32 s3, s9;
	s6 =	sadd.s32 @!p0 $0x88, s6;
	s7 =	simm.s32 @p2 $0x1082  }
0x22: {  	[simem:s7], [sflag:s8] =	dma.local @!p0 [hbm:s6], $0xF7A  }
0x23: {  	s9 =	sor.u32 $0xD0000000, s2;
	s6 =	simm.s32 $0x108;
	_ =	swait.ge @!p0 [sflag:s8], $0x0  }
0x24: {  	s3 =	sadd.s32 $0x88, s3;
	s6 =	simm.s32 @!p1 $0x1082;
	[sflag:s4] =	ssyncset.s32 $0xFFFFF086  }
0x25: {  	[simem:s6], [sflag:s4] =	dma.local [hbm:s3], $0xF7A  }
0x26: {  	[smem:$0x3F91] =	sst s1;
	(tag) =	ssettag s2;
	_ =	strace s9  }
0x27: {  	s1 =	sld [smem:$0x3FA1]  }
0x28: {  	s2 =	sld [smem:$0x3FA2]  }
0x29: {  	s4 =	sld [smem:$0x3FA4]  }
0x2a: {  	p0 =	seq.s32 s5, $0x0;
	s5 =	sld [smem:$0x3FA5]  }
0x2b: {  	s6 =	sld [smem:$0x3FA6]  }
0x2c: {  	s7 =	sld [smem:$0x3FA7]  }
0x2d: {  	s3 =	simm.s32 $0x108;
	s8 =	sld [smem:$0x3FA8]  }
0x2e: {  	s3 =	simm.s32 @!p0 $0x1082;
	s9 =	sld [smem:$0x3FA9]  }
0x2f: {  	lr =	sadd.s32 s0, s3;
	s0 =	sld [smem:$0x3FA0]  }
0x30: {  	s3 =	sld [smem:$0x3FA3]  }
0x31: {  	[smem:$0x3FAC] =	sst s10  }
0x32: {  	s10 =	sld [smem:$0x3FAA];
	_ =	sdelay $0x3  }
0x33: {  	p0 =	seq.s32 s10, $0x1;
	s10 =	sld [smem:$0x3FAC];
	_ =	sdelay $0x3  }
0x34: {  	[smem:$0x3FAC] =	sst s10  }
0x35: {  	s10 =	sld [smem:$0x3FAB];
	_ =	sdelay $0x3  }
0x36: {  	p1 =	seq.s32 s10, $0x1;
	s10 =	sld [smem:$0x3FAC];
	_ =	sdelay $0x3  }
0x37: {  	[smem:$0x3FAC] =	sst s10  }
0x38: {  	s10 =	sld [smem:$0x3FAD]  }
0x39: {  	_ = 	snop;
	(pc) =	sbr.ind lr, $3  }
0x3a: {  	_ = 	snop  }
0x3b: {  	_ = 	snop  }
0x3c: {  	p2 =	seq.s32 s10, $0x1;
	s10 =	sld [smem:$0x3FAC]  }
0x3d: {  	_ =	shalt  }
0x3e: {  	_ =	shalt  }
0x3f: {  	_ =	shalt  }
0x40: {  	_ =	shalt  }
0x41: {  	_ =	shalt  }
0x42: {  	_ =	shalt  }
0x43: {  	_ =	shalt  }
0x44: {  	_ =	shalt  }
0x45: {  	_ =	shalt  }
0x46: {  	_ =	shalt  }
0x47: {  	_ =	shalt  }
0x48: {  	_ =	shalt  }
0x49: {  	_ =	shalt  }
0x4a: {  	_ =	shalt  }
0x4b: {  	_ =	shalt  }
0x4c: {  	_ =	shalt  }
0x4d: {  	_ =	shalt  }
0x4e: {  	_ =	shalt  }
0x4f: {  	_ =	shalt  }
0x50: {  	_ =	shalt  }
0x51: {  	_ =	shalt  }
0x52: {  	_ =	shalt  }
0x53: {  	_ =	shalt  }
0x54: {  	_ =	shalt  }
0x55: {  	_ =	shalt  }
0x56: {  	_ =	shalt  }
0x57: {  	_ =	shalt  }
0x58: {  	_ =	shalt  }
0x59: {  	_ =	shalt  }
0x5a: {  	_ =	shalt  }
0x5b: {  	_ =	shalt  }
0x5c: {  	_ =	shalt  }
0x5d: {  	_ =	shalt  }
0x5e: {  	_ =	shalt  }
0x5f: {  	_ =	shalt  }
0x60: {  	_ =	shalt  }
0x61: {  	_ =	shalt  }
0x62: {  	_ =	shalt  }
0x63: {  	_ =	shalt  }
0x64: {  	_ =	shalt  }
0x65: {  	_ =	shalt  }
0x66: {  	_ =	shalt  }
0x67: {  	_ =	shalt  }
0x68: {  	_ =	shalt  }
0x69: {  	_ =	shalt  }
0x6a: {  	_ =	shalt  }
0x6b: {  	_ =	shalt  }
0x6c: {  	_ =	shalt  }
0x6d: {  	_ =	shalt  }
0x6e: {  	_ =	shalt  }
0x6f: {  	_ =	shalt  }
0x70: {  	_ =	shalt  }
0x71: {  	_ =	shalt  }
0x72: {  	_ =	shalt  }
0x73: {  	_ =	shalt  }
0x74: {  	_ =	shalt  }
0x75: {  	_ =	shalt  }
0x76: {  	_ =	shalt  }
0x77: {  	_ =	shalt  }
0x78: {  	_ =	shalt  }
0x79: {  	_ =	shalt  }
0x7a: {  	_ =	shalt  }
0x7b: {  	_ =	shalt  }
0x7c: {  	_ =	shalt  }
0x7d: {  	_ =	shalt  }
0x7e: {  	_ =	shalt  }
0x7f: {  	_ =	shalt  }
0x80: {  	_ =	shalt  }
0x81: {  	_ =	shalt  }
0x82: {  	_ =	shalt  }
0x83: {  	_ =	shalt  }
0x84: {  	_ =	shalt  }
0x85: {  	_ =	shalt  }
0x86: {  	_ =	shalt  }
0x87: {  	_ =	shalt  }
.Lfunc_end0:
.L_simem_size_0:
called_computation.1_lowered:
.L_overlay_start_0:
0x88: {  	s2 =	sld [smem:$0x3FD9]  }
0x89: {  	s3 =	sld [smem:$0x3FFE];
	_ =	sdelay $0x1  }
0x8a: {  	s1 =	srdreg.scid  }
0x8b: {  	s0 =	sand.u32 $0x1, s1  }
0x8c: {  	s14 =	sshll.u32 s0, $0xA;
	s2 =	sadd.s32 s3, s2  }
0x8d: {  	s2 =	sadd.s32 s2, s14  }
0x8e: {  	[smem:$0x3FB8] =	sst s2  }
0x8f: {  	_ = 	snop  }
0x90: {  	s2 =	sld [smem:$0x3FD0];
	_ =	sdelay $0x2  }
0x91: {  	s4 =	simm.s32 $0xA;
	s5 =	simm.s32 $0x10;
	s15 =	sld [smem:$0x3FC8]  }
0x92: {  	[smem:s5], [sflag:s4] =	dma.local [hbm:s2], $0x1  }
0x93: {  	_ =	swait.eq [sflag:s4], $0x1  }
0x94: {  	[sflag:s4] =	ssyncset.done $0x0  }
0x95: {  	[sflag:s4] =	ssyncadd.s32 $0xFFFFFFFF  }
0x96: {  	s16 =	sld [smem:$0x12];
	(tm) =	ssettm $0x1  }
0x97: {  	s17 =	sld [smem:$0x3FFB];
	_ =	sdelay $0x3  }
0x98: {  	_ =	strace s17  }
0x99: {  	s4 =	sld [smem:$0x3FFC];
	_ =	sdelay $0x3  }
0x9a: {  	_ =	strace s4  }
0x9b: {  	s4 =	sld [smem:$0x3FFD];
	_ =	sdelay $0x3  }
0x9c: {  	_ =	strace s4  }
0x9d: {  	_ =	strace $0x8FFFFFFF  }
0x9e: {  	s18 =	sld [smem:$0x3FDB];
	_ =	sdelay $0x1  }
0x9f: {  	s19 =	simm.s32 $_scs_section_size  }
0xa0: {  	s6 =	simm.s32 $_size__tile_overlayer_lowered;
	s7 =	simm.s32 $_tile_overlayer_lowered  }
0xa1: {  	s22 =	simm.s32 $0x1BFF;
	s21 =	sshll.u32 s7, $0x1;
	s4 =	sadd.s32 s19, s18  }
0xa2: {  	s8 =	simm.s32 $0x0;
	s20 =	sshll.u32 s6, $0x1;
	s6 =	sadd.s32 s21, s4  }
0xa3: {  	[timem:s8], [sflag:s22] =	dma.local [hbm:s6], s20  }
0xa4: {  	_ =	swait.ge [sflag:s22], s20  }
0xa5: {  	s5 =	ssub.s32 $0x0, s20;
	[sflag:s22] =	ssyncset.done $0x0  }
0xa6: {  	[sflag:s22] =	ssyncadd.s32 s5;
	_ =	sdelay $0x1  }
0xa7: {  	s23 =	simm.s32 $0x1B8B  }
0xa8: {  	_ =	swait.ge [sflag:s23], $0x1  }
0xa9: {  	[sflag:s23] =	ssyncset.done $0x0  }
0xaa: {  	s25 =	simm.s32 $0x1B8E;
	s24 =	sld [smem:$0x3FFE];
	[sflag:s23] =	ssyncadd.s32 $0xFFFFFFFF  }
0xab: {  	s26 =	simm.s32 $execute0_lowered;
	[smem:$0x3FD2] =	sst s25  }
0xac: {  	s6 =	sshll.u32 s26, $0x1;
	_ =	strace $0x80000046;
	[dreg:$0x1] =	wrdreg $0xFFFFFFFF  }
0xad: {  	s28 =	simm.s32 $_size_execute0_lowered;
	s4 =	sadd.s32 s4, s6;
	[dreg:$0x0] =	wrdreg $0x0  }
0xae: {  	s6 =	sshll.u32 s28, $0x1;
	[dreg:$0x2] =	wrdreg s4  }
0xaf: {  	[dreg:$0x3] =	wrdreg s6  }
0xb0: {  	[dreg:$0x4] =	wrdreg $0xC0  }
0xb1: {  	_ =	task [dreg:s8], $0x5FFFF  }
0xb2: {  	[dreg:$0x1] =	wrdreg $0xFFFFFFFF  }
0xb3: {  	[dreg:$0x0] =	wrdreg $0x60  }
0xb4: {  	[dreg:$0x2] =	wrdreg s16  }
0xb5: {  	[dreg:$0x3] =	wrdreg s15  }
0xb6: {  	[dreg:$0x4] =	wrdreg s24  }
0xb7: {  	[dreg:$0x5] =	wrdreg $0x9  }
0xb8: {  	_ =	task.clear_ibuf [dreg:s8], $0x6FFFF;
	_ =	strace $0x90000046  }
0xb9: {  	s29 =	simm.s32 $0x9;
	_ =	strace $0x80000048  }
0xba: {  	_ =	swait.ge [sflag:s29], $0x1  }
0xbb: {  	[sflag:s29] =	ssyncadd.s32 $0xFFFFFFFF  }
0xbc: {  	_ =	strace $0x90000048  }
0xbd: {  	_ =	sfence  }
0xbe: {  	s30 =	sld [smem:$0x0];
	_ =	sdelay $0x2  }
0xbf: {  	s31 =	sshll.u32 s1, $0xD;
	s1 =	sshrl.u32 s1, $0x2  }
0xc0: {  	s3 =	sand.u32 $0x4000, s31;
	s1 =	sadd.s32 s1, s30  }
0xc1: {  	s0 =	sor.u32 s3, s0;
	s1 =	sshll.u32 s1, $0x11  }
0xc2: {  	s0 =	sor.u32 s1, s0  }
0xc3: {  	s0 =	sadd.s32 $0x8F2B, s0  }
0xc4: {  	[sflag:s0] =	ssyncadd.remote.s32 $0x1  }
0xc5: {  	_ =	sfence.sel $0xFFFF  }
0xc6: {  	[dreg:$0x0] =	wrdreg $0xFFFFFFFF;
	(pc) =	sbr.abs _section_cstart, $3  }
0xc7: {  	[dreg:$0x1] =	wrdreg $0xFFFFFFFF  }
0xc8: {  	_ =	task.clear_ibuf [dreg:s8], $0x2FFFF;
	_ =	strace $0x9FFFFFFF  }
0xc9: {  	(tm) =	ssettm $0x7FFFFFFF  }
tec
execute0_lowered:
.L_overlay_start_1:
0x0: {  	(tag) =	ssettag $0x1  }
0x1: {  	s1 =	rddreg [dreg:$0x0]  }
0x2: {  	s2 =	rddreg [dreg:$0x1];
	s0 =	srdreg.scid  }
0x3: {  	s5 =	rddreg [dreg:$0x2];
	s3 =	stileid.u32  }
0x4: {  	s4 =	simm.s32 $0x0;
	s10 =	simm.s32 $0x2;
	s11 =	simm.s32 $0xC8  }
0x5: {  	s12 =	simm.s32 $0x100;
	s13 =	simm.s32 $0x1;
	s14 =	simm.s32 $0x0  }
0x6: {  	s6 =	sand.u32 $0x1, s0;
	s0 =	rddreg [dreg:$0x3];
	s8 =	smul.u32 $0x32000, s3  }
0x7: {  	[smem:$0x7FF] =	sst s4;
	s31 =	sshll.u32 s3, $0xB;
	s7 =	ssub.s32 $0x2, s6  }
0x8: {  	s30 =	smul.u32 $0x19000, s6;
	_ =	strace $0x80000047;
	s6 =	sshll.u32 s6, $0xA  }
0x9: {  	s9 =	sshrl.u32 s7, $0x1;
	s8 =	sadd.s32 s8, s5;
	s6 =	sor.u32 s6, s31  }
0xa: {  	s7 =	ssub.s32 s7, s9;
	s8 =	sadd.s32 s30, s8;
	s9 =	simm.s32 $0x400  }
0xb: {  	s5 =	smax.u32 s7, $0x1;
	s7 =	sadd.s32 $0x3400, s8;
	s8 =	simm.s32 $0x80  }
.LBB2_1:
0xc: {  	s15 =	sand.u32 $0x70, s4  }
0xd: {  	s16 =	sand.u32 $0x7F00, s6;
	s15 =	sadd.s32 s1, s15  }
0xe: {  	s15 =	sadd.s32 s16, s15  }
0xf: {  	[tilespmem:s4], [sflag:$0x2] =	stream.strided.gather [hbm4b:s15+s8], $0x100, s9, s8, $0x38;
	[tilespmem:$0x6500] =	vst v63  }
0x10: {  	_ =	swait.ge [sflag:s10], $0x100  }
0x11: {  	[sflag:s10] =	ssyncset.done $0x0  }
0x12: {  	[sflag:s10] =	ssyncadd.s32 $0xFFFFFF00  }
0x13: {  	[tilespmem:s12], [sflag:$0x1] =	stream.indirect.gather [hbm4b:s2+s11], $0x80, s4, s11, $0xb8;
	[tilespmem:$0x6500] =	vst v63  }
0x14: {  	_ =	swait.ge [sflag:s13], $0x6400  }
0x15: {  	s31 =	simm.s32 $0x10;
	[sflag:s13] =	ssyncset.done $0x0  }
0x16: {  	s17 =	simm.s32 $0x20;
	s19 =	sand.u32 $0x70, s31;
	[sflag:s13] =	ssyncadd.s32 $0xFFFF9C00  }
0x17: {  	[hbm4b:s7+s4] =	stream.linear.scatter [tilespmem:s12], [sflag:$0x2], $0x6400, $0x38;
	[tilespmem:$0x6500] =	vst v63  }
0x18: {  	s16 =	sadd.s32 $0x20, s6;
	s19 =	sadd.s32 s1, s19;
	_ =	swait.ge [sflag:s10], $0x6400  }
0x19: {  	s15 =	sadd.s32 $0xC80, s7;
	s18 =	sand.u32 $0x7F00, s16;
	[sflag:s10] =	ssyncset.done $0x0  }
.LBB2_2:
0x1a: {  	s18 =	sadd.s32 s18, s19;
	[sflag:s10] =	ssyncadd.s32 $0xFFFF9C00  }
0x1b: {  	s19 =	smov.u32 s17;
	s20 =	sadd.s32 $0x10, s17;
	s21 =	smov.u32 s15  }
0x1c: {  	[tilespmem:s4], [sflag:$0x2] =	stream.strided.gather [hbm4b:s18+s8], $0x100, s9, s8, $0x38;
	[tilespmem:$0x6500] =	vst v63  }
0x1d: {  	p0 =	sne.s32 s17, $0x1F0;
	_ =	swait.ge [sflag:s10], $0x100  }
0x1e: {  	[sflag:s10] =	ssyncset.done $0x0  }
0x1f: {  	[sflag:s10] =	ssyncadd.s32 $0xFFFFFF00  }
0x20: {  	[tilespmem:s12], [sflag:$0x1] =	stream.indirect.gather [hbm4b:s2+s11], $0x80, s4, s11, $0xb8;
	[tilespmem:$0x6500] =	vst v63  }
0x21: {  	_ =	swait.ge [sflag:s13], $0x6400  }
.Ltmp0:
0x22: {  	[sflag:s13] =	ssyncset.done $0x0;
	(pc) =	sbr.rel @p0 .LBB2_2-.Ltmp0, $4  }
0x23: {  	s15 =	sadd.s32 $0xC80, s15;
	s16 =	sadd.s32 $0x20, s16;
	[sflag:s13] =	ssyncadd.s32 $0xFFFF9C00  }
0x24: {  	[hbm4b:s21+s4] =	stream.linear.scatter [tilespmem:s12], [sflag:$0x2], $0x6400, $0x38;
	[tilespmem:$0x6500] =	vst v63  }
0x25: {  	s17 =	sand.u32 $0x70, s19;
	s18 =	sand.u32 $0x7F00, s16;
	_ =	swait.ge [sflag:s10], $0x6400  }
0x26: {  	s19 =	sadd.s32 s1, s17;
	s17 =	smov.u32 s20;
	[sflag:s10] =	ssyncset.done $0x0  }
0x27: {  	s16 =	sadd.s32 s18, s19;
	[sflag:s10] =	ssyncadd.s32 $0xFFFF9C00  }
0x28: {  	[tilespmem:s4], [sflag:$0x2] =	stream.strided.gather [hbm4b:s16+s8], $0x100, s9, s8, $0x38;
	[tilespmem:$0x6500] =	vst v63  }
0x29: {  	_ =	swait.ge [sflag:s10], $0x100  }
0x2a: {  	[sflag:s10] =	ssyncset.done $0x0  }
0x2b: {  	[sflag:s10] =	ssyncadd.s32 $0xFFFFFF00  }
0x2c: {  	[tilespmem:s12], [sflag:$0x1] =	stream.indirect.gather [hbm4b:s2+s11], $0x80, s4, s11, $0xb8;
	[tilespmem:$0x6500] =	vst v63  }
0x2d: {  	s14 =	sadd.s32 $0x1, s14;
	_ =	swait.ge [sflag:s13], $0x6400  }
0x2e: {  	p0 =	sne.s32 s14, s5;
	[sflag:s13] =	ssyncset.done $0x0  }
.Ltmp1:
0x2f: {  	[sflag:s13] =	ssyncadd.s32 $0xFFFF9C00;
	(pc) =	sbr.rel @p0 .LBB2_1-.Ltmp1, $4  }
0x30: {  	[hbm4b:s15+s4] =	stream.linear.scatter [tilespmem:s12], [sflag:$0x2], $0x6400, $0x38;
	[tilespmem:$0x6500] =	vst v63  }
0x31: {  	_ =	swait.ge [sflag:s10], $0x6400  }
0x32: {  	[sflag:s10] =	ssyncset.done $0x0  }
0x33: {  	[sflag:s10] =	ssyncadd.s32 $0xFFFF9C00  }
0x34: {  	_ =	sfence.sel $0x180000  }
0x35: {  	[bflag:$0x0] =	sbarrier.arrive $0xFFFF  }
0x36: {  	p0 =	sne.s32 s3, $0x0;
	_ =	strace $0x90000047  }
0x37: {  	s0 =	sadd.s32 @!p0 $0x100000, s0;
	[bflag:$0x2] =	sbarrier.arrive $0xFFFF  }
0x38: {  	[sflag:s0] =	ssyncadd.tile.s32 @!p0 $0x1;
	_ =	shalt  }
.Lfunc_end2:
_tile_overlayer_lowered:
.L_overlay_start_2:
0x39: {  	(tag) =	ssettag $0x2  }
0x3a: {  	s0 =	rddreg [dreg:$0x0];
	s2 =	stileid.u32  }
0x3b: {  	s1 =	rddreg [dreg:$0x1];
	p0 =	sne.s32 s2, $0x0  }
0x3c: {  	s3 =	rddreg [dreg:$0x2];
	[bflag:$0x3] =	sbarrier.arrive $0xFFFF;
	s2 =	simm.s32 @!p0 $0x1C02  }
0x3d: {  	[timem:s3], [sflag:s2] =	dma.local @!p0 [hbm:s0], s1  }
0x3e: {  	s0 =	simm.s32 @!p0 $0x2  }
0x3f: {  	_ =	swait.ge @!p0 [sflag:s0], s1  }
0x40: {  	s1 =	ssub.s32 @!p0 $0x0, s1;
	[sflag:s0] =	ssyncset.done @!p0 $0x0  }
0x41: {  	[sflag:s0] =	ssyncadd.s32 @!p0 s1  }
0x42: {  	[bflag:$0x3] =	sbarrier.arrive $0xFFFF  }
0x43: {  	_ =	shalt  }

// kernel: sparse-core-data-format-call.cloned.1.call-start
scs
called_computation_lowered:
.L_overlay_start_0:
0x0: {  	s2 =	sld [smem:$0x3FD9]  }
0x1: {  	s3 =	sld [smem:$0x3FFE];
	_ =	sdelay $0x1  }
0x2: {  	s1 =	srdreg.scid  }
0x3: {  	s0 =	sand.u32 $0x1, s1  }
0x4: {  	s15 =	sshll.u32 s0, $0xA;
	s2 =	sadd.s32 s3, s2  }
0x5: {  	s2 =	sadd.s32 s2, s15  }
0x6: {  	[smem:$0x3FB8] =	sst s2  }
0x7: {  	_ = 	snop  }
0x8: {  	s2 =	sld [smem:$0x3FD0];
	_ =	sdelay $0x2  }
0x9: {  	s16 =	simm.s32 $0xA;
	s4 =	simm.s32 $0x10  }
0xa: {  	[smem:s4], [sflag:s16] =	dma.local [hbm:s2], $0x1  }
0xb: {  	_ =	swait.eq [sflag:s16], $0x1  }
0xc: {  	[sflag:s16] =	ssyncset.done $0x0  }
0xd: {  	[sflag:s16] =	ssyncadd.s32 $0xFFFFFFFF  }
0xe: {  	s17 =	sld [smem:$0x12];
	(tm) =	ssettm $0x1  }
0xf: {  	s18 =	sld [smem:$0x3FFB];
	_ =	sdelay $0x3  }
0x10: {  	_ =	strace s18  }
0x11: {  	s3 =	sld [smem:$0x3FFC];
	_ =	sdelay $0x3  }
0x12: {  	_ =	strace s3  }
0x13: {  	s3 =	sld [smem:$0x3FFD];
	_ =	sdelay $0x3  }
0x14: {  	_ =	strace s3  }
0x15: {  	_ =	strace $0x8FFFFFFF  }
0x16: {  	s19 =	sld [smem:$0x3FDB];
	_ =	sdelay $0x1  }
0x17: {  	s20 =	simm.s32 $_scs_section_size  }
0x18: {  	s5 =	simm.s32 $_size__tile_overlayer_lowered;
	s6 =	simm.s32 $_tile_overlayer_lowered  }
0x19: {  	s23 =	simm.s32 $0x1BFF;
	s22 =	sshll.u32 s6, $0x1;
	s3 =	sadd.s32 s20, s19  }
0x1a: {  	s7 =	simm.s32 $0x0;
	s21 =	sshll.u32 s5, $0x1;
	s5 =	sadd.s32 s22, s3  }
0x1b: {  	[timem:s7], [sflag:s23] =	dma.local [hbm:s5], s21  }
0x1c: {  	_ =	swait.ge [sflag:s23], s21  }
0x1d: {  	s4 =	ssub.s32 $0x0, s21;
	[sflag:s23] =	ssyncset.done $0x0  }
0x1e: {  	[sflag:s23] =	ssyncadd.s32 s4;
	_ =	sdelay $0x1  }
0x1f: {  	s24 =	simm.s32 $0x1B8B  }
0x20: {  	_ =	swait.ge [sflag:s24], $0x1  }
0x21: {  	[sflag:s24] =	ssyncset.done $0x0  }
0x22: {  	s26 =	simm.s32 $0x1B8E;
	s25 =	sld [smem:$0x3FFE];
	[sflag:s24] =	ssyncadd.s32 $0xFFFFFFFF  }
0x23: {  	s27 =	simm.s32 $execute0_lowered;
	[smem:$0x3FD2] =	sst s26  }
0x24: {  	s5 =	sshll.u32 s27, $0x1;
	_ =	strace $0x80000049;
	[dreg:$0x1] =	wrdreg $0xFFFFFFFF  }
0x25: {  	s28 =	simm.s32 $_size_execute0_lowered;
	s3 =	sadd.s32 s3, s5;
	[dreg:$0x0] =	wrdreg $0x0  }
0x26: {  	s5 =	sshll.u32 s28, $0x1;
	[dreg:$0x2] =	wrdreg s3  }
0x27: {  	[dreg:$0x3] =	wrdreg s5  }
0x28: {  	[dreg:$0x4] =	wrdreg $0xC0  }
0x29: {  	_ =	task [dreg:s7], $0x5FFFF  }
0x2a: {  	[dreg:$0x1] =	wrdreg $0xFFFFFFFF  }
0x2b: {  	[dreg:$0x0] =	wrdreg $0x60  }
0x2c: {  	[dreg:$0x2] =	wrdreg s25  }
0x2d: {  	[dreg:$0x3] =	wrdreg s17  }
0x2e: {  	[dreg:$0x4] =	wrdreg $0x9  }
0x2f: {  	_ =	task.clear_ibuf [dreg:s7], $0x5FFFF;
	_ =	strace $0x90000049  }
0x30: {  	s29 =	simm.s32 $0x9;
	_ =	strace $0x8000004B  }
0x31: {  	_ =	swait.ge [sflag:s29], $0x1  }
0x32: {  	[sflag:s29] =	ssyncadd.s32 $0xFFFFFFFF  }
0x33: {  	_ =	strace $0x9000004B  }
0x34: {  	_ =	sfence  }
0x35: {  	s30 =	sld [smem:$0x0];
	_ =	sdelay $0x2  }
0x36: {  	s31 =	sshll.u32 s1, $0xD;
	s1 =	sshrl.u32 s1, $0x2  }
0x37: {  	s3 =	sand.u32 $0x4000, s31;
	s1 =	sadd.s32 s1, s30  }
0x38: {  	s0 =	sor.u32 s3, s0;
	s1 =	sshll.u32 s1, $0x11  }
0x39: {  	s0 =	sor.u32 s1, s0  }
0x3a: {  	s0 =	sadd.s32 $0x8F2B, s0  }
0x3b: {  	[sflag:s0] =	ssyncadd.remote.s32 $0x1  }
0x3c: {  	_ =	sfence.sel $0xFFFF  }
0x3d: {  	[dreg:$0x0] =	wrdreg $0xFFFFFFFF;
	(pc) =	sbr.abs _section_cstart, $3  }
0x3e: {  	[dreg:$0x1] =	wrdreg $0xFFFFFFFF  }
0x3f: {  	_ =	task.clear_ibuf [dreg:s7], $0x2FFFF;
	_ =	strace $0x9FFFFFFF  }
0x40: {  	(tm) =	ssettm $0x7FFFFFFF  }
0x41: {  	_ =	shalt  }
tec
execute0_lowered:
.L_overlay_start_1:
0x0: {  	(tag) =	ssettag $0x1  }
0x1: {  	s1 =	srdreg.scid  }
0x2: {  	s0 =	stileid.u32;
	s1 =	sshll.u32 s1, $0x4  }
0x3: {  	s31 =	sshll.u32 s0, $0x7;
	s2 =	sor.u32 s0, s1  }
0x4: {  	s7 =	rddreg [dreg:$0x0];
	s1 =	sand.u32 $0x380, s31;
	s2 =	sshrl.u32 s2, $0x1  }
0x5: {  	s8 =	simm.s32 $0x2;
	s3 =	ssub.s32 $0x400, s1;
	s2 =	sand.u32 $0xC, s2  }
0x6: {  	s16 =	simm.s32 $0x0;
	s4 =	sand.u32 $0x380, s3;
	s5 =	ssub.s32 $0xC8, s2  }
0x7: {  	p0 =	sne.s32 s4, $0x0;
	s4 =	simm.s32 $0x1;
	s6 =	sand.u32 $0xC, s5  }
0x8: {  	s4 =	simm.s32 @!p0 $0x0;
	p0 =	sne.s32 s6, $0x0;
	s6 =	simm.s32 $0x1  }
0x9: {  	s3 =	sshrl.u32 s3, $0xA;
	s5 =	sshrl.u32 s5, $0x4;
	s6 =	simm.s32 @!p0 $0x0  }
0xa: {  	s9 =	simm.s32 $0xC800;
	s3 =	sadd.s32 s4, s3;
	s5 =	sadd.s32 s6, s5  }
0xb: {  	s15 =	simm.s32 $0x0;
	s14 =	simm.s32 $0x0;
	s6 =	smul.u32 s5, s3  }
.Ltmp0:
0xc: {  	s10 =	simm.s32 $0x0;
	s4 =	rddreg [dreg:$0x1];
	(pc) =	sbr.rel .LBB1_1-.Ltmp0, $4  }
0xd: {  	s13 =	simm.s32 $0x0;
	s7 =	sadd.s32 $0x3400, s7;
	s3 =	rddreg [dreg:$0x2]  }
0xe: {  	_ =	strace $0x8000004A;
	s5 =	simm.s32 $0x1;
	s6 =	smul.u32 $0x19, s6  }
0xf: {  	s12 =	smov.u32 s1;
	s11 =	smov.u32 s2;
	[sflag:s5] =	ssyncpa.u1 $0x0  }
0x10: {  	vm0 =	vmxor vm0, vm0;
	p0 =	por $0x0, $0x0;
	[sflag:s8] =	ssyncpa.u1 $0x0;
	s8 =	sadd.s32 $0x1, s6  }
.LBB1_4:
0x11: {  	s19 =	sshll.u32 s16, $0xA;
	s22 =	sshll.u32 s14, $0x3;
	v8 =	vshrl.u32 v2, $0x18;
	v9 =	vand.u32 $0xFF, v2;
	v6 =	vpack.c.b16.b8 v7, v6  }
0x12: {  	v57 =	vshrl.u32 v1, $0x10;
	v58 =	vshrl.u32 v1, $0x8;
	v10 =	vshrl.u32 v2, $0x10;
	s19 =	sand.u32 $0xFFFFE000, s19;
	s22 =	sand.u32 $0xFFFFFC00, s22  }
0x13: {  	v59 =	vshrl.u32 v2, $0x8;
	v5 =	vpack.c.b32.b16 v9, v5;
	v9 =	vpack.c.b32.b16 v9, v9;
	s19 =	sadd.s32 s22, s19  }
0x14: {  	v7 =	vand.u32 $0xFF, v57;
	v1 =	vand.u32 $0xFF, v58;
	v2 =	vand.u32 $0xFF, v59;
	s19 =	sshrl.u32 s19, $0xA  }
0x15: {  	s21 =	sshra.s32 s21, $0x2;
	[tilespmem:s20+$0x102 ss:$0x81] =	vst.msk $0x3, v3;
	s28 =	sshll.u32 s16, $0x7;
	v60 =	vand.u32 $0xFF, v10;
	v1 =	vpack.c.b32.b16 v2, v1;
	v2 =	vpack.c.b32.b16 v2, v2;
	s27 =	smulhi.u32 $0x147AE15, s19  }
0x16: {  	s29 =	sshll.u32 s14, $0x2;
	s15 =	smul.u32 $0x1900, s15;
	s18 =	sadd.s32 s21, s18;
	[tilespmem:s20+$0x204 ss:$0x81] =	vst.msk $0x3, v4;
	v62 =	vpack.c.b32.b16 v60, v7;
	v3 =	vpack.c.b32.b16 v60, v60;
	v61 =	vpack.c.b16.b8 v9, v5  }
0x17: {  	v0 =	vpack.c.b32.b16 v8, v0;
	v63 =	vpack.c.b32.b16 v8, v8;
	s16 =	sand.u32 $0x200, s28;
	s30 =	sand.u32 $0x1E0, s29;
	[tilespmem:s20+$0x306 ss:$0x81] =	vst.msk $0x3, v6;
	v1 =	vpack.c.b16.b8 v2, v1;
	s22 =	smul.u32 $0xC8, s27  }
0x18: {  	s31 =	sand.u32 $0x7, s14;
	s16 =	sor.u32 s30, s16;
	v3 =	vpack.c.b16.b8 v3, v62;
	[tilespmem:s18+$0x0 ss:$0x81] =	vst.msk $0x3, v61  }
0x19: {  	s15 =	sadd.s32 s4, s15;
	v0 =	vpack.c.b16.b8 v63, v0;
	s16 =	sshrl.u32 s16, $0x5;
	[tilespmem:s18+$0x102 ss:$0x81] =	vst.msk $0x3, v1;
	s19 =	ssub.s32 s19, s22  }
0x1a: {  	s14 =	sshll.u32 s31, $0x12;
	s15 =	sadd.s32 s16, s15;
	[tilespmem:s18+$0x204 ss:$0x81] =	vst.msk $0x3, v3;
	s19 =	sshll.u32 s19, $0x5  }
0x1b: {  	s14 =	sor.u32 $0x100, s14;
	[tilespmem:s18+$0x306 ss:$0x81] =	vst.msk $0x3, v0;
	s15 =	sadd.s32 s19, s15  }
0x1c: {  	[hbm4b:s15+s14] =	stream.strided.scatter [tilespmem:s17], [sflag:$0x2], $0x400, s9, s14, $0x20;
	[tilespmem:$0x1010] =	vst v63  }
.LBB1_5:
0x1d: {  	s17 =	sadd.s32 $0x8, s10  }
0x1e: {  	s14 =	sadd.s32 $0x10, s11;
	s18 =	smov.u32 s11;
	p2 =	sgt.s32 s17, $0xC7  }
0x1f: {  	s18 =	smov.u32 @p2 s14  }
0x20: {  	s20 =	smov.u32 s12;
	s14 =	sadd.s32 $0x400, s12;
	p3 =	sgt.s32 s18, $0xC7  }
0x21: {  	s20 =	smov.u32 @p3 s14  }
0x22: {  	s17 =	simm.s32 @p2 $0x0;
	p2 =	sgt.s32 s20, $0x3FF  }
0x23: {  	p1 =	slt.u32 s13, $0x2;
	s20 =	smov.u32 @p2 s1;
	p2 =	sne.s32 s13, s8  }
.Ltmp1:
0x24: {  	s19 =	simm.s32 @!p1 $0x2;
	(pc) =	sbr.rel @!p2 .LBB1_6-.Ltmp1, $4  }
0x25: {  	s16 =	smov.u32 s10;
	s15 =	smov.u32 s11;
	_ =	swait.ge @!p1 [sflag:s19], $0x400  }
0x26: {  	p0 =	por !p0, !p0;
	[sflag:s19] =	ssyncset.done @!p1 $0x0;
	s10 =	smov.u32 s17  }
0x27: {  	s18 =	smov.u32 @p3 s2;
	s14 =	smov.u32 s12;
	[sflag:s19] =	ssyncadd.s32 @!p1 $0xFFFFFC00  }
0x28: {  	s11 =	smov.u32 s18;
	s13 =	sadd.s32 $0x1, s13;
	s12 =	smov.u32 s20  }
.LBB1_1:
0x29: {  	p1 =	sge.u32 s13, s6  }
0x2a: {  	s17 =	sshll.u32 @!p1 s11, $0x8;
	s18 =	sshll.u32 @!p1 s10, $0x3  }
0x2b: {  	s19 =	sshll.u32 @!p1 s11, $0x7;
	s17 =	sand.u32 @!p1 $0xFFFFF800, s17;
	s18 =	sand.u32 @!p1 $0xFFFFFC00, s18  }
0x2c: {  	s17 =	sadd.s32 @!p1 s17, s18;
	s18 =	sand.u32 @!p1 $0x200, s19;
	s19 =	sshll.u32 @!p1 s10, $0x2  }
0x2d: {  	s17 =	sor.u32 @!p1 s18, s17;
	s18 =	sand.u32 @!p1 $0x100, s19  }
0x2e: {  	s17 =	sor.u32 @!p1 s18, s17  }
0x2f: {  	s17 =	sshrl.u32 @!p1 s17, $0x8  }
0x30: {  	s18 =	smulhi.u32 @!p1 $0x147AE15, s17;
	_ =	sdelay $0x1  }
0x31: {  	s18 =	smul.u32 @!p1 $0xC8, s18  }
0x32: {  	s19 =	smul.u32 @!p1 $0x640, s12  }
0x33: {  	s31 =	sadd.s32 $0xFFFFFFFF, s13;
	s17 =	ssub.s32 @!p1 s17, s18;
	s18 =	sshrl.u32 @!p1 s10, $0x3  }
0x34: {  	s20 =	sxor.u32 @!p1 $0xFFFFFFFF, s13;
	s19 =	sadd.s32 @!p1 s7, s19;
	s18 =	sand.u32 @!p1 $0x7, s18  }
0x35: {  	s17 =	sshll.u32 @!p1 s17, $0x3;
	s18 =	sadd.s32 @!p1 s18, s19;
	s19 =	sand.u32 @!p1 $0x7, s10  }
0x36: {  	s17 =	sadd.s32 @!p1 s17, s18;
	s18 =	sshll.u32 @!p1 s20, $0xA;
	s19 =	sshll.u32 @!p1 s19, $0x12  }
0x37: {  	s20 =	simm.s32 @!p1 $0x3200;
	s18 =	sand.u32 @!p1 $0x400, s18;
	s19 =	sor.u32 @!p1 $0x8, s19  }
0x38: {  	[tilespmem:s18], [sflag:$0x1] =	stream.strided.gather @!p1 [hbm4b:s17+s19], $0x400, s20, s19, $0x38;
	[tilespmem:$0x1010] =	vst v63  }
0x39: {  	p1 =	sge.u32 s31, s6  }
.Ltmp2:
0x3a: {  	_ = 	snop;
	(pc) =	sbr.rel @p1 .LBB1_5-.Ltmp2, $1  }
0x3b: {  	_ =	sdelay $0x3  }
0x3c: {  	s17 =	simm.s32 $0x1;
	_ =	swait.ge [sflag:s5], $0x400  }
0x3d: {  	s17 =	simm.s32 @!p0 $0x0;
	[sflag:s5] =	ssyncset.done $0x0  }
0x3e: {  	s18 =	sshll.u32 s17, $0xA;
	[sflag:s5] =	ssyncadd.s32 $0xFFFFFC00  }
0x3f: {  	v0 =	vld.msk [tilespmem:s18+$0x0], $0xff  }
0x40: {  	v2 =	vld.msk [tilespmem:s18+$0x0], vm0;
	_ =	sdelay $0x3  }
0x41: {  	v4 =	vshrl.u32 v0, $0x18;
	v3 =	vand.u32 $0xFF, v0  }
0x42: {  	v5 =	vshrl.u32 v2, $0x18;
	v6 =	vand.u32 $0xFF, v2;
	v7 =	vshrl.u32 v0, $0x10  }
0x43: {  	v0 =	vshrl.u32 v0, $0x8;
	v8 =	vshrl.u32 v2, $0x10;
	v2 =	vshrl.u32 v2, $0x8  }
0x44: {  	v3 =	vpack.c.b32.b16 v6, v3;
	v0 =	vand.u32 $0xFF, v0;
	v2 =	vand.u32 $0xFF, v2  }
0x45: {  	s19 =	sadd.s32 $0x8, s18;
	v6 =	vpack.c.b32.b16 v6, v6;
	v0 =	vpack.c.b32.b16 v2, v0;
	v2 =	vpack.c.b32.b16 v2, v2  }
0x46: {  	s17 =	smul.u32 $0x1020, s17;
	v1 =	vld.msk [tilespmem:s19+$0x0], $0xff  }
0x47: {  	s30 =	sand.u32 $0x1, s13;
	v9 =	vpack.c.b16.b8 v6, v3;
	v3 =	vpack.c.b16.b8 v2, v0;
	v2 =	vld.msk [tilespmem:s19+$0x0], vm0  }
0x48: {  	s20 =	smul.u32 $0x1020, s30;
	s17 =	sshrl.u32 s17, $0x2;
	v7 =	vand.u32 $0xFF, v7;
	v8 =	vand.u32 $0xFF, v8  }
0x49: {  	s18 =	sor.u32 $0x800, s17;
	v10 =	vpack.c.b32.b16 v8, v7;
	v8 =	vpack.c.b32.b16 v8, v8  }
0x4a: {  	s31 =	sshrl.u32 s20, $0x2;
	s20 =	sadd.s32 $0x0, s18;
	v7 =	vpack.c.b32.b16 v5, v5;
	v6 =	vpack.c.b32.b16 v5, v4  }
0x4b: {  	s21 =	simm.s32 $0x4;
	s22 =	simm.s32 $0x8;
	s17 =	sor.u32 $0x800, s31;
	v5 =	vand.u32 $0xFF, v1;
	v0 =	vshrl.u32 v1, $0x18;
	v4 =	vpack.c.b16.b8 v8, v10;
	[tilespmem:s20+$0x0 ss:$0x81] =	vst.msk $0x3, v9  }
.LBB1_3:
0x4c: {  	p1 =	sne.s32 s22, $0x1FC;
	v8 =	vshrl.u32 v2, $0x18;
	v9 =	vand.u32 $0xFF, v2;
	[tilespmem:s20+$0x102 ss:$0x81] =	vst.msk $0x3, v3;
	v3 =	vpack.c.b16.b8 v7, v6  }
0x4d: {  	v6 =	vshrl.u32 v1, $0x10;
	v7 =	vshrl.u32 v1, $0x8;
	v10 =	vshrl.u32 v2, $0x10;
	s19 =	sadd.s32 $0x8, s19;
	[tilespmem:s20+$0x204 ss:$0x81] =	vst.msk $0x3, v4  }
0x4e: {  	v4 =	vshrl.u32 v2, $0x8;
	v5 =	vpack.c.b32.b16 v9, v5;
	v9 =	vpack.c.b32.b16 v9, v9;
	v1 =	vld.msk [tilespmem:s19+$0x0], $0xff;
	[tilespmem:s20+$0x306 ss:$0x81] =	vst.msk $0x3, v3  }
.Ltmp3:
0x4f: {  	v3 =	vand.u32 $0xFF, v6;
	v6 =	vand.u32 $0xFF, v7;
	v4 =	vand.u32 $0xFF, v4;
	v2 =	vld.msk [tilespmem:s19+$0x0], vm0;
	(pc) =	sbr.rel @p1 .LBB1_3-.Ltmp3, $4  }
0x50: {  	v7 =	vand.u32 $0xFF, v10;
	v6 =	vpack.c.b32.b16 v4, v6;
	v4 =	vpack.c.b32.b16 v4, v4  }
0x51: {  	s20 =	sshra.s32 s21, $0x2;
	s21 =	smov.u32 s22;
	v9 =	vpack.c.b16.b8 v9, v5;
	v10 =	vpack.c.b32.b16 v7, v3;
	v11 =	vpack.c.b32.b16 v7, v7  }
0x52: {  	s20 =	sadd.s32 s20, s18;
	v7 =	vpack.c.b32.b16 v8, v8;
	v3 =	vpack.c.b16.b8 v4, v6;
	v6 =	vpack.c.b32.b16 v8, v0  }
0x53: {  	s22 =	sadd.s32 $0x4, s22;
	v4 =	vpack.c.b16.b8 v11, v10;
	v0 =	vshrl.u32 v1, $0x18;
	v5 =	vand.u32 $0xFF, v1;
	[tilespmem:s20+$0x0 ss:$0x81] =	vst.msk $0x3, v9  }
.Ltmp4:
0x54: {  	_ = 	snop;
	(pc) =	sbr.rel .LBB1_4-.Ltmp4, $1  }
0x55: {  	_ =	sdelay $0x3  }
.LBB1_6:
0x56: {  	_ =	sfence.sel $0x180000  }
0x57: {  	s1 =	simm.s32 $0x1;
	[bflag:$0x0] =	sbarrier.arrive $0xFFFF  }
0x58: {  	s31 =	simm.s32 $0x2;
	[sflag:s1] =	ssyncpa.u1 $0x1  }
0x59: {  	[sflag:s31] =	ssyncpa.u1 $0x1  }
0x5a: {  	p0 =	sne.s32 s0, $0x0;
	_ =	strace $0x9000004A  }
0x5b: {  	s0 =	sadd.s32 @!p0 $0x100000, s3;
	[bflag:$0x2] =	sbarrier.arrive $0xFFFF  }
0x5c: {  	[sflag:s0] =	ssyncadd.tile.s32 @!p0 $0x1;
	_ =	shalt  }
.Lfunc_end1:
_tile_overlayer_lowered:
.L_overlay_start_2:
0x5d: {  	(tag) =	ssettag $0x2  }
0x5e: {  	s0 =	rddreg [dreg:$0x0];
	s2 =	stileid.u32  }
0x5f: {  	s1 =	rddreg [dreg:$0x1];
	p0 =	sne.s32 s2, $0x0  }
0x60: {  	s3 =	rddreg [dreg:$0x2];
	[bflag:$0x3] =	sbarrier.arrive $0xFFFF;
	s2 =	simm.s32 @!p0 $0x1C01  }
0x61: {  	[timem:s3], [sflag:s2] =	dma.local @!p0 [hbm:s0], s1  }
0x62: {  	s0 =	simm.s32 @!p0 $0x1  }
0x63: {  	_ =	swait.ge @!p0 [sflag:s0], s1  }
0x64: {  	s1 =	ssub.s32 @!p0 $0x0, s1;
	[sflag:s0] =	ssyncset.done @!p0 $0x0  }
0x65: {  	[sflag:s0] =	ssyncadd.s32 @!p0 s1  }
0x66: {  	[bflag:$0x3] =	sbarrier.arrive $0xFFFF  }
0x67: {  	_ =	shalt  }

</sc_bundles>
